<compile_context>
chip_gen: v7x
topology: tpu7x:2x2x1
jax: 0.10.2.dev20260603
libtpu: 0.0.44.dev20260713+nightly
codegen_flags: <defaults>
</compile_context>

<pallas_src>
import functools

import jax
import jax.numpy as jnp
from jax import lax
from jax.experimental import pallas as pl
from jax.experimental.pallas import tpu as pltpu
from jax.experimental.pallas import tpu_sc as plsc

_NS = 16


def _pad_n(n):
    per = -(-n // _NS)
    per = -(-per // 40) * 40
    return per * _NS
_C = 80
_B = 1000


def _make_counts_kernel(n, e):
    per_tile = e // _NS
    steps = per_tile // _C
    np_ = _pad_n(n)
    assert np_ >= n + 8
    rpt = np_ // _NS
    zrows = rpt // 5
    trash = np_ - 8
    mesh = plsc.VectorSubcoreMesh(core_axis_name="c", subcore_axis_name="s")

    @functools.partial(
        pl.kernel,
        out_type=jax.ShapeDtypeStruct((4 * np_, 16), jnp.float32),
        mesh=mesh,
        scratch_types=[
            pltpu.VMEM_SHARED((np_, 16), jnp.float32),
            pltpu.VMEM_SHARED((np_, 16), jnp.float32),
            pltpu.VMEM((_C, 16), jnp.float32),
            pltpu.VMEM((zrows, 16), jnp.float32),
            pltpu.VMEM((_C,), jnp.int32),
            pltpu.VMEM((_C,), jnp.int32),
            pltpu.VMEM((_C,), jnp.int32),
            pltpu.VMEM((16,), jnp.int32),
        ],
    )
    def counts_kernel(src, dst, src_a, dst_a, qv, out, acc, acc2, block,
                      zbuf, sidx, didx, didx2, qvm):
        c = lax.axis_index("c")
        s = lax.axis_index("s")
        pltpu.sync_copy(qv, qvm)
        zeros16 = jnp.zeros((16,), jnp.float32)
        one0 = jnp.where(lax.iota(jnp.int32, 16) == 0, 1.0, 0.0)

        def zrow(r, _):
            zbuf[r, :] = zeros16
            return 0
        lax.fori_loop(0, zrows, zrow, 0)

        def brow(r, _):
            block[r, :] = one0
            return 0
        lax.fori_loop(0, _C, brow, 0)

        row0 = s * rpt
        for j in range(rpt // zrows):
            pltpu.sync_copy(zbuf, acc.at[pl.ds(row0 + j * zrows, zrows)])
            pltpu.sync_copy(zbuf, acc2.at[pl.ds(row0 + j * zrows, zrows)])
        plsc.subcore_barrier()

        qvec = qvm[...]
        base = s * per_tile

        def run(esrc, edst):
            def step(g, _):
                off = base + g * _C
                pltpu.sync_copy(esrc.at[pl.ds(off, _C)], sidx)
                pltpu.sync_copy(edst.at[pl.ds(off, _C)], didx)
                for j8 in range(_C // 16):
                    sv = sidx[pl.ds(j8 * 16, 16)]
                    dv = didx[pl.ds(j8 * 16, 16)]
                    didx2[pl.ds(j8 * 16, 16)] = jnp.where(sv == qvec, dv,
                                                          trash)
                pltpu.sync_copy(block, acc.at[didx], add=True)
                pltpu.sync_copy(block, acc2.at[didx2], add=True)
                return 0
            lax.fori_loop(0, steps, step, 0)

        @pl.when(c == 0)
        def _():
            run(src, dst)

        @pl.when(c == 1)
        def _():
            run(src_a, dst_a)

        plsc.subcore_barrier()
        pltpu.sync_copy(acc.at[pl.ds(row0, rpt)],
                        out.at[pl.ds(c * np_ + row0, rpt)])
        pltpu.sync_copy(acc2.at[pl.ds(row0, rpt)],
                        out.at[pl.ds(2 * np_ + c * np_ + row0, rpt)])

    return counts_kernel


def _make_prop_kernel(n, e):
    per_tile_full = e // _NS
    steps_full = per_tile_full // _C
    per_tile_half = e // (2 * _NS)
    steps_half = per_tile_half // _C
    np_ = _pad_n(n)
    rpt = np_ // _NS
    zrows = rpt // 5
    mesh = plsc.VectorSubcoreMesh(core_axis_name="c", subcore_axis_name="s")

    @functools.partial(
        pl.kernel,
        out_type=(
            jax.ShapeDtypeStruct((np_, 128), jnp.float32),
            jax.ShapeDtypeStruct((np_, 128), jnp.float32),
            jax.ShapeDtypeStruct((2 * np_, 128), jnp.float32),
        ),
        mesh=mesh,
        scratch_types=[
            pltpu.VMEM_SHARED((np_, 128), jnp.float32),
            pltpu.VMEM((zrows, 128), jnp.float32),
            pltpu.VMEM((_C, 128), jnp.float32),
            pltpu.VMEM((_C,), jnp.int32),
            pltpu.VMEM((_C,), jnp.int32),
            pltpu.SemaphoreType.DMA,
        ],
    )
    def prop_kernel(y1, y1a, yf, src, dst, src_a, dst_a, o1, o1a, ofp,
                    acc, zbuf, rows, sidx, didx, sem):
        c = lax.axis_index("c")
        s = lax.axis_index("s")
        zeros16 = jnp.zeros((16,), jnp.float32)

        def zrow(r, _):
            for k in range(8):
                zbuf[r, pl.ds(k * 16, 16)] = zeros16
            return 0
        lax.fori_loop(0, zrows, zrow, 0)

        row0 = s * rpt

        def zero_acc():
            for j in range(rpt // zrows):
                pltpu.sync_copy(zbuf, acc.at[pl.ds(row0 + j * zrows, zrows)])

        def run_edges(table, esrc, edst, base, steps):
            def step(g, _):
                off = base + g * _C
                pltpu.sync_copy(esrc.at[pl.ds(off, _C)], sidx)
                pltpu.sync_copy(edst.at[pl.ds(off, _C)], didx)
                pltpu.async_copy(table.at[sidx], rows, sem).wait()
                pltpu.sync_copy(rows, acc.at[didx], add=True)
                return 0
            lax.fori_loop(0, steps, step, 0)

        zero_acc()
        plsc.subcore_barrier()

        @pl.when(c == 0)
        def _():
            run_edges(y1, src, dst, s * per_tile_full, steps_full)

        @pl.when(c == 1)
        def _():
            run_edges(y1a, src_a, dst_a, s * per_tile_full, steps_full)

        plsc.subcore_barrier()

        @pl.when(c == 0)
        def _():
            pltpu.sync_copy(acc.at[pl.ds(row0, rpt)], o1.at[pl.ds(row0, rpt)])

        @pl.when(c == 1)
        def _():
            pltpu.sync_copy(acc.at[pl.ds(row0, rpt)],
                            o1a.at[pl.ds(row0, rpt)])

        plsc.subcore_barrier()

        zero_acc()
        plsc.subcore_barrier()
        run_edges(yf, src, dst, c * (e // 2) + s * per_tile_half, steps_half)
        plsc.subcore_barrier()
        pltpu.sync_copy(acc.at[pl.ds(row0, rpt)],
                        ofp.at[pl.ds(c * np_ + row0, rpt)])

    return prop_kernel


def _s2_body(qi_ref, fscal_ref, feats_ref, deg_ref, dega_ref, kq_ref,
             kqa_ref, wl1_ref,
             wlf_ref, blf_ref, wlq_ref, blq_ref, fqatt_ref, fatt_ref,
             wq1_ref, bq1_ref, wf_ref,
             y1_ref, y1a_ref, yf_ref, hq_ref, hqa_ref, hfmid_ref):
    i = pl.program_id(0)
    feats = feats_ref[...]
    dinv = lax.rsqrt(deg_ref[:, 0:1] + 1.0)
    dinva = lax.rsqrt(dega_ref[:, 0:1] + 1.0)
    kq = kq_ref[:, 0:1]
    kqa = kqa_ref[:, 0:1]
    xw1 = jnp.dot(feats, wl1_ref[...], preferred_element_type=jnp.float32)
    y1_ref[...] = dinv * xw1
    y1a_ref[...] = dinva * xw1
    qs = qi_ref[0]
    dinv_q = fscal_ref[0]
    dinv_aq = fscal_ref[1]
    rowid = i * _B + lax.broadcasted_iota(jnp.int32, (_B, 1), 0)
    ismask = (rowid == qs).astype(jnp.float32)
    coef = dinv * (dinv_q * kq) + ismask * (dinv_q * dinv_q)
    coefa = dinva * (dinv_aq * kqa) + ismask * (dinv_aq * dinv_aq)
    hq_ref[...] = jnp.maximum(coef * wq1_ref[...] + bq1_ref[...], 0.0)
    hqa_ref[...] = jnp.maximum(coefa * wq1_ref[...] + bq1_ref[...], 0.0)
    f2 = jnp.dot(feats, wlf_ref[...],
                 preferred_element_type=jnp.float32) + blf_ref[...]
    q2 = blq_ref[...] + ismask * wlq_ref[...]
    u = jnp.sum(q2 * fqatt_ref[...], axis=1, keepdims=True)
    v = jnp.sum(f2 * fatt_ref[...], axis=1, keepdims=True)
    m = jnp.maximum(u, v)
    eu = jnp.exp(u - m)
    ev = jnp.exp(v - m)
    hfmid = (eu * q2 + ev * f2) / (eu + ev)
    hfmid_ref[...] = hfmid
    yf_ref[...] = dinv * jnp.dot(hfmid, wf_ref[...],
                                 preferred_element_type=jnp.float32)


def _s4_body(acc1_ref, acc1a_ref, of0_ref, of1_ref, y1_ref, y1a_ref, yf_ref,
             hq_ref, hqa_ref, hfmid_ref, deg_ref, dega_ref, bl1_ref, bf_ref,
             qatt_ref, natt_ref, hf_ref, haug_ref):
    dinv = lax.rsqrt(deg_ref[:, 0:1] + 1.0)
    dinva = lax.rsqrt(dega_ref[:, 0:1] + 1.0)
    bl1 = bl1_ref[...]
    qatt = qatt_ref[...]
    natt = natt_ref[...]
    h = jnp.maximum(dinv * (acc1_ref[...] + y1_ref[...]) + bl1, 0.0)
    ha = jnp.maximum(dinva * (acc1a_ref[...] + y1a_ref[...]) + bl1, 0.0)

    def fuse(a, b):
        u = jnp.sum(a * qatt, axis=1, keepdims=True)
        v = jnp.sum(b * natt, axis=1, keepdims=True)
        m = jnp.maximum(u, v)
        eu = jnp.exp(u - m)
        ev = jnp.exp(v - m)
        return (eu * a + ev * b) / (eu + ev)

    hq = hq_ref[...]
    hqa = hqa_ref[...]
    hf_fused = fuse(hq, h)
    haug_ref[...] = fuse(hqa, ha)
    gcnf = dinv * (of0_ref[...] + of1_ref[...] + yf_ref[...]) + bf_ref[...]
    hf_ref[...] = jnp.maximum(hf_fused + gcnf, 0.0)


def _row_spec(bs=None):
    if bs is None:
        bs = (_B, 128)
    return pl.BlockSpec(bs, lambda i: (i, 0))


def _full_spec(shape):
    return pl.BlockSpec(shape, lambda i: tuple(0 for _ in shape))


def kernel(feats, edge_index, edge_index_aug, q, W_q1, b_q1, W_l1, b_l1,
           W_f, b_f, q_att, n_att, fq_att, f_att, W_lq, b_lq, W_lf, b_lf):
    n, d = feats.shape
    e = edge_index.shape[1]
    h = W_l1.shape[1]
    assert e % (2 * _NS * _C) == 0 and h == 128
    np_ = _pad_n(n)

    src = edge_index[0]
    dst = edge_index[1]
    src_a = edge_index_aug[0]
    dst_a = edge_index_aug[1]
    qs = jnp.asarray(q, jnp.int32)
    qv = jnp.full((16,), qs, jnp.int32)

    counts_p = _make_counts_kernel(n, e)(src, dst, src_a, dst_a, qv)
    deg_ei = counts_p[0:n]
    deg_aug = counts_p[np_:np_ + n]
    kq_ei = counts_p[2 * np_:2 * np_ + n]
    kq_aug = counts_p[3 * np_:3 * np_ + n]

    dinv_q = lax.rsqrt(counts_p[qs, 0] + 1.0)
    dinv_aq = lax.rsqrt(counts_p[np_ + qs, 0] + 1.0)
    fscal = jnp.stack([dinv_q, dinv_aq])
    qi = qs.reshape(1)

    row128 = lambda a: a.reshape(1, h)
    grid = (n // _B,)
    obl = jax.ShapeDtypeStruct((n, h), jnp.float32)
    smem_spec = pl.BlockSpec(memory_space=pltpu.SMEM)

    y1, y1a, yf, hq, hqa, hfmid = pl.pallas_call(
        _s2_body,
        grid=grid,
        in_specs=[smem_spec, smem_spec, _row_spec()] +
                 [_row_spec((_B, 16))] * 4 +
                 [_full_spec((h, h)), _full_spec((h, h)),
                  _full_spec((1, h)), _full_spec((1, h)), _full_spec((1, h)),
                  _full_spec((1, h)), _full_spec((1, h)), _full_spec((1, h)),
                  _full_spec((1, h)), _full_spec((h, h))],
        out_specs=[_row_spec()] * 6,
        out_shape=[obl] * 6,
    )(qi, fscal, feats, deg_ei, deg_aug, kq_ei, kq_aug, W_l1, W_lf,
      row128(b_lf), W_lq, row128(b_lq), fq_att.reshape(1, h),
      f_att.reshape(1, h), W_q1, row128(b_q1), W_f)

    y1p = jnp.zeros((np_, h), jnp.float32).at[:n].set(y1)
    y1ap = jnp.zeros((np_, h), jnp.float32).at[:n].set(y1a)
    yfp = jnp.zeros((np_, h), jnp.float32).at[:n].set(yf)
    o1p, o1ap, ofpp = _make_prop_kernel(n, e)(y1p, y1ap, yfp, src, dst,
                                              src_a, dst_a)
    o1, o1a = o1p[:n], o1ap[:n]
    ofp = jnp.concatenate([ofpp[:n], ofpp[np_:np_ + n]], axis=0)

    hf, haug = pl.pallas_call(
        _s4_body,
        grid=grid,
        in_specs=[_row_spec()] * 10 + [_row_spec((_B, 16))] * 2 +
                 [_full_spec((1, h))] * 4,
        out_specs=[_row_spec()] * 2,
        out_shape=[obl] * 2,
    )(o1, o1a, ofp[:n], ofp[n:], y1, y1a, yf, hq, hqa, hfmid,
      deg_ei, deg_aug, row128(b_l1), row128(b_f),
      q_att.reshape(1, h), n_att.reshape(1, h))

    return (hf, haug)

# --- scband reference (transcript-rebuilt; emitter-appended) ---
"""Pipeline reference for scband-emb-learner-knn-7653631721519 (READ-ONLY COPY).

The authoritative reference and input builder live on the scoring server;
editing this copy changes nothing except your own understanding.
"""

import jax, jax.numpy as jnp
import numpy as np

N = 10000
E = 320000
D = 128
H = 128

def setup_inputs(seed: int = 0) -> dict:
    key = jax.random.key(seed)
    ks = jax.random.split(key, 20)
    feats = jax.random.normal(ks[0], (N, D), dtype=jnp.float32)
    edge_index = jax.random.randint(ks[1], (2, E), 0, N, dtype=jnp.int32)
    edge_index_aug = jax.random.randint(ks[2], (2, E), 0, N, dtype=jnp.int32)
    def glorot(k, shape):
        fan_in, fan_out = shape[0], shape[-1]
        lim = np.sqrt(6.0 / (fan_in + fan_out))
        return jax.random.uniform(k, shape, jnp.float32, -lim, lim)
    params = {
        'W_q1': glorot(ks[3], (1, H)),   'b_q1': jnp.zeros((H,), jnp.float32),
        'W_l1': glorot(ks[4], (D, H)),   'b_l1': jnp.zeros((H,), jnp.float32),
        'W_f':  glorot(ks[5], (H, H)),   'b_f':  jnp.zeros((H,), jnp.float32),
        'q_att': glorot(ks[6], (H, 1)),  'n_att': glorot(ks[7], (H, 1)),
        'fq_att': glorot(ks[8], (H, 1)), 'f_att': glorot(ks[9], (H, 1)),
        'W_lq': glorot(ks[10], (1, H)),  'b_lq': jnp.zeros((H,), jnp.float32),
        'W_lf': glorot(ks[11], (D, H)),  'b_lf': jnp.zeros((H,), jnp.float32),
    }
    inp = {'feats': feats, 'edge_index': edge_index, 'edge_index_aug': edge_index_aug, 'q': 42}
    inp.update(params)
    return inp

def _gcn(x, W, b, ei, n):
    xw = x @ W
    sl = jnp.arange(n, dtype=ei.dtype)
    src = jnp.concatenate([ei[0], sl])
    dst = jnp.concatenate([ei[1], sl])
    ones = jnp.ones(src.shape[0], dtype=xw.dtype)
    deg = jax.ops.segment_sum(ones, dst, num_segments=n)
    deg = jnp.maximum(deg, 1.0)
    dinv = jax.lax.rsqrt(deg)
    norm = dinv[src] * dinv[dst]
    out = jax.ops.segment_sum(xw[src] * norm[:, None], dst, num_segments=n)
    return out + b

def reference(feats, edge_index, edge_index_aug, q, W_q1, b_q1, W_l1, b_l1, W_f, b_f, q_att, n_att, fq_att, f_att, W_lq, b_lq, W_lf, b_lf):
    n = feats.shape[0]
    querys = jnp.zeros((n, 1), feats.dtype).at[q, 0].set(1.0)
    hq = jax.nn.relu(_gcn(querys, W_q1, b_q1, edge_index, n))
    h = jax.nn.relu(_gcn(feats, W_l1, b_l1, edge_index, n))
    ac = jax.nn.softmax(jnp.concatenate([hq @ q_att, h @ n_att], axis=1), axis=1)[:, :, None]
    hf = jnp.sum(ac * jnp.stack([hq, h], axis=1), axis=1)
    hq_a = jax.nn.relu(_gcn(querys, W_q1, b_q1, edge_index_aug, n))
    h_a = jax.nn.relu(_gcn(feats, W_l1, b_l1, edge_index_aug, n))
    ach = jax.nn.softmax(jnp.concatenate([hq_a @ q_att, h_a @ n_att], axis=1), axis=1)[:, :, None]
    h_augf = jnp.sum(ach * jnp.stack([hq_a, h_a], axis=1), axis=1)
    q2 = querys @ W_lq + b_lq
    f2 = feats @ W_lf + b_lf
    ac2 = jax.nn.softmax(jnp.concatenate([q2 @ fq_att, f2 @ f_att], axis=1), axis=1)[:, :, None]
    hf_ = jnp.sum(ac2 * jnp.stack([q2, f2], axis=1), axis=1)
    hf = jax.nn.relu(hf + _gcn(hf_, W_f, b_f, edge_index, n))
    return (hf, h_augf)

if __name__ == "__main__":
    import jax
    _d = setup_inputs()
    print(jax.jit(kernel)(*tuple(_d.values())))

</pallas_src>

<mosaic_0001>
#map = affine_map<(d0, d1) -> (0)>
#map1 = affine_map<(d0, d1) -> (0, 0)>
module attributes {stable_mosaic.version = 14 : i64} {
  func.func @counts_kernel(%arg0: i32, %arg1: i32, %arg2: memref<320000xi32, #tpu.memory_space<hbm>>, %arg3: memref<320000xi32, #tpu.memory_space<hbm>>, %arg4: memref<320000xi32, #tpu.memory_space<hbm>>, %arg5: memref<320000xi32, #tpu.memory_space<hbm>>, %arg6: memref<16xi32, #tpu.memory_space<hbm>>, %arg7: memref<40960x16xf32, #tpu.memory_space<hbm>>, %arg8: memref<10240x16xf32, #tpu.memory_space<vmem_shared>>, %arg9: memref<10240x16xf32, #tpu.memory_space<vmem_shared>>, %arg10: memref<80x16xf32, #tpu.memory_space<vmem>>, %arg11: memref<128x16xf32, #tpu.memory_space<vmem>>, %arg12: memref<80xi32, #tpu.memory_space<vmem>>, %arg13: memref<80xi32, #tpu.memory_space<vmem>>, %arg14: memref<80xi32, #tpu.memory_space<vmem>>, %arg15: memref<16xi32, #tpu.memory_space<vmem>>) attributes {dimension_semantics = [#tpu.dimension_semantics<core_parallel>, #tpu.dimension_semantics<subcore_parallel>], iteration_bounds = array<i64: 2, 16>, scalar_prefetch = 0 : i64, scratch_operands = 8 : i64, tpu.core_type = #tpu.core_type<sc_vector_subcore>, window_params = [{transform_indices = #map}, {transform_indices = #map}, {transform_indices = #map}, {transform_indices = #map}, {transform_indices = #map}, {transform_indices = #map1}]} {
    "tpu.region"() ({
      %run_scoped3A = tpu.sem_alloc : memref<!tpu.dma_semaphore, #tpu.memory_space<semaphore_mem>>
      tpu.enqueue_dma source(%arg6 : memref<16xi32, #tpu.memory_space<hbm>>) target(%arg15 : memref<16xi32, #tpu.memory_space<vmem>>) target_semaphore(%run_scoped3A : memref<!tpu.dma_semaphore, #tpu.memory_space<semaphore_mem>>)
      tpu.wait_dma2 semaphore(%run_scoped3A : memref<!tpu.dma_semaphore, #tpu.memory_space<semaphore_mem>>) src(%arg6 : memref<16xi32, #tpu.memory_space<hbm>>) dst(%arg15 : memref<16xi32, #tpu.memory_space<vmem>>)
      tpu.yield
    }) : () -> ()
    %broadcast_in_dim3A = arith.constant 0.000000e+00 : f32
    %broadcast_in_dim3A_0 = vector.broadcast %broadcast_in_dim3A : f32 to vector<16xf32>
    %iota3A = tpu.iota {dimensions = array<i32: 0>} : vector<16xi32>
    %eq3A = arith.constant 0 : i32
    %eq3A_1 = vector.broadcast %eq3A : i32 to vector<16xi32>
    %eq3A_2 = arith.cmpi eq, %iota3A, %eq3A_1 : vector<16xi32>
    %jit3A = arith.constant 1.000000e+00 : f32
    %jit3A_3 = arith.constant 0.000000e+00 : f32
    %broadcast_in_dim3A_4 = vector.broadcast %jit3A : f32 to vector<16xf32>
    %broadcast_in_dim3A_5 = vector.broadcast %jit3A_3 : f32 to vector<16xf32>
    %select_n3A = arith.select %eq3A_2, %broadcast_in_dim3A_4, %broadcast_in_dim3A_5 : vector<16xi1>, vector<16xf32>
    %scan3A = arith.constant 0 : i32
    %scan3A_6 = arith.constant 0 : i32
    %scan3A_7 = arith.constant 128 : i32
    %scan3A_8 = arith.addi %scan3A_6, %scan3A_7 : i32
    %scan3A_9 = arith.constant 1 : i32
    %scan3A_10 = scf.for %scan3A_60 = %scan3A_6 to %scan3A_8 step %scan3A_9 iter_args(%scan3A_61 = %scan3A) -> (i32)  : i32 {
      %swap3A = arith.index_cast %scan3A_60 : i32 to index
      %swap3A_62 = arith.constant 0 : index
      %swap3A_63 = tpu.vector_load %arg11[%swap3A, %swap3A_62] {strides = array<i32>} : memref<128x16xf32, #tpu.memory_space<vmem>>, vector<1x16xf32>,
      %swap3A_64 = vector.shape_cast %swap3A_63 : vector<1x16xf32> to vector<16xf32>
      %swap3A_65 = vector.shape_cast %broadcast_in_dim3A_0 : vector<16xf32> to vector<1x16xf32>
      tpu.vector_store %arg11[%swap3A, %swap3A_62], %swap3A_65 {strides = array<i32>} : memref<128x16xf32, #tpu.memory_space<vmem>>, vector<1x16xf32>,
      %scan3A_66 = arith.constant 0 : i32
      scf.yield %scan3A_66 : i32
    }
    %scan3A_11 = arith.constant 128 : i32
    %scan3A_12 = arith.constant 0 : i32
    %scan3A_13 = arith.constant 0 : i32
    %scan3A_14 = arith.constant 80 : i32
    %scan3A_15 = arith.addi %scan3A_13, %scan3A_14 : i32
    %scan3A_16 = arith.constant 1 : i32
    %scan3A_17 = scf.for %scan3A_60 = %scan3A_13 to %scan3A_15 step %scan3A_16 iter_args(%scan3A_61 = %scan3A_12) -> (i32)  : i32 {
      %swap3A = arith.index_cast %scan3A_60 : i32 to index
      %swap3A_62 = arith.constant 0 : index
      %swap3A_63 = tpu.vector_load %arg10[%swap3A, %swap3A_62] {strides = array<i32>} : memref<80x16xf32, #tpu.memory_space<vmem>>, vector<1x16xf32>,
      %swap3A_64 = vector.shape_cast %swap3A_63 : vector<1x16xf32> to vector<16xf32>
      %swap3A_65 = vector.shape_cast %select_n3A : vector<16xf32> to vector<1x16xf32>
      tpu.vector_store %arg10[%swap3A, %swap3A_62], %swap3A_65 {strides = array<i32>} : memref<80x16xf32, #tpu.memory_space<vmem>>, vector<1x16xf32>,
      %scan3A_66 = arith.constant 0 : i32
      scf.yield %scan3A_66 : i32
    }
    %scan3A_18 = arith.constant 80 : i32
    %mul3A = arith.constant 640 : i32
    %mul3A_19 = arith.muli %arg1, %mul3A : i32
    %add3A = arith.constant 0 : i32
    %add3A_20 = arith.addi %mul3A_19, %add3A : i32
    "tpu.region"() ({
      %run_scoped3A = tpu.sem_alloc : memref<!tpu.dma_semaphore, #tpu.memory_space<semaphore_mem>>
      %dma_start3A = arith.constant 0 : i32
      %dma_start3A_60 = tpu.memref_slice %arg8[%add3A_20, %dma_start3A] : memref<10240x16xf32, #tpu.memory_space<vmem_shared>> -> memref<128x16xf32, #tpu.memory_space<vmem_shared>>
      %dma_start3A_61 = arith.constant 0 : i32
      %dma_start3A_62 = tpu.memref_slice %arg8[%add3A_20, %dma_start3A_61] : memref<10240x16xf32, #tpu.memory_space<vmem_shared>> -> memref<128x16xf32, #tpu.memory_space<vmem_shared>>
      tpu.enqueue_dma source(%arg11 : memref<128x16xf32, #tpu.memory_space<vmem>>) target(%dma_start3A_62 : memref<128x16xf32, #tpu.memory_space<vmem_shared>>) target_semaphore(%run_scoped3A : memref<!tpu.dma_semaphore, #tpu.memory_space<semaphore_mem>>)
      %dma_wait3A = arith.constant 0 : i32
      %dma_wait3A_63 = tpu.memref_slice %arg8[%add3A_20, %dma_wait3A] : memref<10240x16xf32, #tpu.memory_space<vmem_shared>> -> memref<128x16xf32, #tpu.memory_space<vmem_shared>>
      %dma_wait3A_64 = arith.constant 0 : i32
      %dma_wait3A_65 = tpu.memref_slice %arg8[%add3A_20, %dma_wait3A_64] : memref<10240x16xf32, #tpu.memory_space<vmem_shared>> -> memref<128x16xf32, #tpu.memory_space<vmem_shared>>
      tpu.wait_dma2 semaphore(%run_scoped3A : memref<!tpu.dma_semaphore, #tpu.memory_space<semaphore_mem>>) src(%arg11 : memref<128x16xf32, #tpu.memory_space<vmem>>) dst(%dma_wait3A_65 : memref<128x16xf32, #tpu.memory_space<vmem_shared>>)
      tpu.yield
    }) : () -> ()
    %add3A_21 = arith.constant 0 : i32
    %add3A_22 = arith.addi %mul3A_19, %add3A_21 : i32
    "tpu.region"() ({
      %run_scoped3A = tpu.sem_alloc : memref<!tpu.dma_semaphore, #tpu.memory_space<semaphore_mem>>
      %dma_start3A = arith.constant 0 : i32
      %dma_start3A_60 = tpu.memref_slice %arg9[%add3A_22, %dma_start3A] : memref<10240x16xf32, #tpu.memory_space<vmem_shared>> -> memref<128x16xf32, #tpu.memory_space<vmem_shared>>
      %dma_start3A_61 = arith.constant 0 : i32
      %dma_start3A_62 = tpu.memref_slice %arg9[%add3A_22, %dma_start3A_61] : memref<10240x16xf32, #tpu.memory_space<vmem_shared>> -> memref<128x16xf32, #tpu.memory_space<vmem_shared>>
      tpu.enqueue_dma source(%arg11 : memref<128x16xf32, #tpu.memory_space<vmem>>) target(%dma_start3A_62 : memref<128x16xf32, #tpu.memory_space<vmem_shared>>) target_semaphore(%run_scoped3A : memref<!tpu.dma_semaphore, #tpu.memory_space<semaphore_mem>>)
      %dma_wait3A = arith.constant 0 : i32
      %dma_wait3A_63 = tpu.memref_slice %arg9[%add3A_22, %dma_wait3A] : memref<10240x16xf32, #tpu.memory_space<vmem_shared>> -> memref<128x16xf32, #tpu.memory_space<vmem_shared>>
      %dma_wait3A_64 = arith.constant 0 : i32
      %dma_wait3A_65 = tpu.memref_slice %arg9[%add3A_22, %dma_wait3A_64] : memref<10240x16xf32, #tpu.memory_space<vmem_shared>> -> memref<128x16xf32, #tpu.memory_space<vmem_shared>>
      tpu.wait_dma2 semaphore(%run_scoped3A : memref<!tpu.dma_semaphore, #tpu.memory_space<semaphore_mem>>) src(%arg11 : memref<128x16xf32, #tpu.memory_space<vmem>>) dst(%dma_wait3A_65 : memref<128x16xf32, #tpu.memory_space<vmem_shared>>)
      tpu.yield
    }) : () -> ()
    %add3A_23 = arith.constant 128 : i32
    %add3A_24 = arith.addi %mul3A_19, %add3A_23 : i32
    "tpu.region"() ({
      %run_scoped3A = tpu.sem_alloc : memref<!tpu.dma_semaphore, #tpu.memory_space<semaphore_mem>>
      %dma_start3A = arith.constant 0 : i32
      %dma_start3A_60 = tpu.memref_slice %arg8[%add3A_24, %dma_start3A] : memref<10240x16xf32, #tpu.memory_space<vmem_shared>> -> memref<128x16xf32, #tpu.memory_space<vmem_shared>>
      %dma_start3A_61 = arith.constant 0 : i32
      %dma_start3A_62 = tpu.memref_slice %arg8[%add3A_24, %dma_start3A_61] : memref<10240x16xf32, #tpu.memory_space<vmem_shared>> -> memref<128x16xf32, #tpu.memory_space<vmem_shared>>
      tpu.enqueue_dma source(%arg11 : memref<128x16xf32, #tpu.memory_space<vmem>>) target(%dma_start3A_62 : memref<128x16xf32, #tpu.memory_space<vmem_shared>>) target_semaphore(%run_scoped3A : memref<!tpu.dma_semaphore, #tpu.memory_space<semaphore_mem>>)
      %dma_wait3A = arith.constant 0 : i32
      %dma_wait3A_63 = tpu.memref_slice %arg8[%add3A_24, %dma_wait3A] : memref<10240x16xf32, #tpu.memory_space<vmem_shared>> -> memref<128x16xf32, #tpu.memory_space<vmem_shared>>
      %dma_wait3A_64 = arith.constant 0 : i32
      %dma_wait3A_65 = tpu.memref_slice %arg8[%add3A_24, %dma_wait3A_64] : memref<10240x16xf32, #tpu.memory_space<vmem_shared>> -> memref<128x16xf32, #tpu.memory_space<vmem_shared>>
      tpu.wait_dma2 semaphore(%run_scoped3A : memref<!tpu.dma_semaphore, #tpu.memory_space<semaphore_mem>>) src(%arg11 : memref<128x16xf32, #tpu.memory_space<vmem>>) dst(%dma_wait3A_65 : memref<128x16xf32, #tpu.memory_space<vmem_shared>>)
      tpu.yield
    }) : () -> ()
    %add3A_25 = arith.constant 128 : i32
    %add3A_26 = arith.addi %mul3A_19, %add3A_25 : i32
    "tpu.region"() ({
      %run_scoped3A = tpu.sem_alloc : memref<!tpu.dma_semaphore, #tpu.memory_space<semaphore_mem>>
      %dma_start3A = arith.constant 0 : i32
      %dma_start3A_60 = tpu.memref_slice %arg9[%add3A_26, %dma_start3A] : memref<10240x16xf32, #tpu.memory_space<vmem_shared>> -> memref<128x16xf32, #tpu.memory_space<vmem_shared>>
      %dma_start3A_61 = arith.constant 0 : i32
      %dma_start3A_62 = tpu.memref_slice %arg9[%add3A_26, %dma_start3A_61] : memref<10240x16xf32, #tpu.memory_space<vmem_shared>> -> memref<128x16xf32, #tpu.memory_space<vmem_shared>>
      tpu.enqueue_dma source(%arg11 : memref<128x16xf32, #tpu.memory_space<vmem>>) target(%dma_start3A_62 : memref<128x16xf32, #tpu.memory_space<vmem_shared>>) target_semaphore(%run_scoped3A : memref<!tpu.dma_semaphore, #tpu.memory_space<semaphore_mem>>)
      %dma_wait3A = arith.constant 0 : i32
      %dma_wait3A_63 = tpu.memref_slice %arg9[%add3A_26, %dma_wait3A] : memref<10240x16xf32, #tpu.memory_space<vmem_shared>> -> memref<128x16xf32, #tpu.memory_space<vmem_shared>>
      %dma_wait3A_64 = arith.constant 0 : i32
      %dma_wait3A_65 = tpu.memref_slice %arg9[%add3A_26, %dma_wait3A_64] : memref<10240x16xf32, #tpu.memory_space<vmem_shared>> -> memref<128x16xf32, #tpu.memory_space<vmem_shared>>
      tpu.wait_dma2 semaphore(%run_scoped3A : memref<!tpu.dma_semaphore, #tpu.memory_space<semaphore_mem>>) src(%arg11 : memref<128x16xf32, #tpu.memory_space<vmem>>) dst(%dma_wait3A_65 : memref<128x16xf32, #tpu.memory_space<vmem_shared>>)
      tpu.yield
    }) : () -> ()
    %add3A_27 = arith.constant 256 : i32
    %add3A_28 = arith.addi %mul3A_19, %add3A_27 : i32
    "tpu.region"() ({
      %run_scoped3A = tpu.sem_alloc : memref<!tpu.dma_semaphore, #tpu.memory_space<semaphore_mem>>
      %dma_start3A = arith.constant 0 : i32
      %dma_start3A_60 = tpu.memref_slice %arg8[%add3A_28, %dma_start3A] : memref<10240x16xf32, #tpu.memory_space<vmem_shared>> -> memref<128x16xf32, #tpu.memory_space<vmem_shared>>
      %dma_start3A_61 = arith.constant 0 : i32
      %dma_start3A_62 = tpu.memref_slice %arg8[%add3A_28, %dma_start3A_61] : memref<10240x16xf32, #tpu.memory_space<vmem_shared>> -> memref<128x16xf32, #tpu.memory_space<vmem_shared>>
      tpu.enqueue_dma source(%arg11 : memref<128x16xf32, #tpu.memory_space<vmem>>) target(%dma_start3A_62 : memref<128x16xf32, #tpu.memory_space<vmem_shared>>) target_semaphore(%run_scoped3A : memref<!tpu.dma_semaphore, #tpu.memory_space<semaphore_mem>>)
      %dma_wait3A = arith.constant 0 : i32
      %dma_wait3A_63 = tpu.memref_slice %arg8[%add3A_28, %dma_wait3A] : memref<10240x16xf32, #tpu.memory_space<vmem_shared>> -> memref<128x16xf32, #tpu.memory_space<vmem_shared>>
      %dma_wait3A_64 = arith.constant 0 : i32
      %dma_wait3A_65 = tpu.memref_slice %arg8[%add3A_28, %dma_wait3A_64] : memref<10240x16xf32, #tpu.memory_space<vmem_shared>> -> memref<128x16xf32, #tpu.memory_space<vmem_shared>>
      tpu.wait_dma2 semaphore(%run_scoped3A : memref<!tpu.dma_semaphore, #tpu.memory_space<semaphore_mem>>) src(%arg11 : memref<128x16xf32, #tpu.memory_space<vmem>>) dst(%dma_wait3A_65 : memref<128x16xf32, #tpu.memory_space<vmem_shared>>)
      tpu.yield
    }) : () -> ()
    %add3A_29 = arith.constant 256 : i32
    %add3A_30 = arith.addi %mul3A_19, %add3A_29 : i32
    "tpu.region"() ({
      %run_scoped3A = tpu.sem_alloc : memref<!tpu.dma_semaphore, #tpu.memory_space<semaphore_mem>>
      %dma_start3A = arith.constant 0 : i32
      %dma_start3A_60 = tpu.memref_slice %arg9[%add3A_30, %dma_start3A] : memref<10240x16xf32, #tpu.memory_space<vmem_shared>> -> memref<128x16xf32, #tpu.memory_space<vmem_shared>>
      %dma_start3A_61 = arith.constant 0 : i32
      %dma_start3A_62 = tpu.memref_slice %arg9[%add3A_30, %dma_start3A_61] : memref<10240x16xf32, #tpu.memory_space<vmem_shared>> -> memref<128x16xf32, #tpu.memory_space<vmem_shared>>
      tpu.enqueue_dma source(%arg11 : memref<128x16xf32, #tpu.memory_space<vmem>>) target(%dma_start3A_62 : memref<128x16xf32, #tpu.memory_space<vmem_shared>>) target_semaphore(%run_scoped3A : memref<!tpu.dma_semaphore, #tpu.memory_space<semaphore_mem>>)
      %dma_wait3A = arith.constant 0 : i32
      %dma_wait3A_63 = tpu.memref_slice %arg9[%add3A_30, %dma_wait3A] : memref<10240x16xf32, #tpu.memory_space<vmem_shared>> -> memref<128x16xf32, #tpu.memory_space<vmem_shared>>
      %dma_wait3A_64 = arith.constant 0 : i32
      %dma_wait3A_65 = tpu.memref_slice %arg9[%add3A_30, %dma_wait3A_64] : memref<10240x16xf32, #tpu.memory_space<vmem_shared>> -> memref<128x16xf32, #tpu.memory_space<vmem_shared>>
      tpu.wait_dma2 semaphore(%run_scoped3A : memref<!tpu.dma_semaphore, #tpu.memory_space<semaphore_mem>>) src(%arg11 : memref<128x16xf32, #tpu.memory_space<vmem>>) dst(%dma_wait3A_65 : memref<128x16xf32, #tpu.memory_space<vmem_shared>>)
      tpu.yield
    }) : () -> ()
    %add3A_31 = arith.constant 384 : i32
    %add3A_32 = arith.addi %mul3A_19, %add3A_31 : i32
    "tpu.region"() ({
      %run_scoped3A = tpu.sem_alloc : memref<!tpu.dma_semaphore, #tpu.memory_space<semaphore_mem>>
      %dma_start3A = arith.constant 0 : i32
      %dma_start3A_60 = tpu.memref_slice %arg8[%add3A_32, %dma_start3A] : memref<10240x16xf32, #tpu.memory_space<vmem_shared>> -> memref<128x16xf32, #tpu.memory_space<vmem_shared>>
      %dma_start3A_61 = arith.constant 0 : i32
      %dma_start3A_62 = tpu.memref_slice %arg8[%add3A_32, %dma_start3A_61] : memref<10240x16xf32, #tpu.memory_space<vmem_shared>> -> memref<128x16xf32, #tpu.memory_space<vmem_shared>>
      tpu.enqueue_dma source(%arg11 : memref<128x16xf32, #tpu.memory_space<vmem>>) target(%dma_start3A_62 : memref<128x16xf32, #tpu.memory_space<vmem_shared>>) target_semaphore(%run_scoped3A : memref<!tpu.dma_semaphore, #tpu.memory_space<semaphore_mem>>)
      %dma_wait3A = arith.constant 0 : i32
      %dma_wait3A_63 = tpu.memref_slice %arg8[%add3A_32, %dma_wait3A] : memref<10240x16xf32, #tpu.memory_space<vmem_shared>> -> memref<128x16xf32, #tpu.memory_space<vmem_shared>>
      %dma_wait3A_64 = arith.constant 0 : i32
      %dma_wait3A_65 = tpu.memref_slice %arg8[%add3A_32, %dma_wait3A_64] : memref<10240x16xf32, #tpu.memory_space<vmem_shared>> -> memref<128x16xf32, #tpu.memory_space<vmem_shared>>
      tpu.wait_dma2 semaphore(%run_scoped3A : memref<!tpu.dma_semaphore, #tpu.memory_space<semaphore_mem>>) src(%arg11 : memref<128x16xf32, #tpu.memory_space<vmem>>) dst(%dma_wait3A_65 : memref<128x16xf32, #tpu.memory_space<vmem_shared>>)
      tpu.yield
    }) : () -> ()
    %add3A_33 = arith.constant 384 : i32
    %add3A_34 = arith.addi %mul3A_19, %add3A_33 : i32
    "tpu.region"() ({
      %run_scoped3A = tpu.sem_alloc : memref<!tpu.dma_semaphore, #tpu.memory_space<semaphore_mem>>
      %dma_start3A = arith.constant 0 : i32
      %dma_start3A_60 = tpu.memref_slice %arg9[%add3A_34, %dma_start3A] : memref<10240x16xf32, #tpu.memory_space<vmem_shared>> -> memref<128x16xf32, #tpu.memory_space<vmem_shared>>
      %dma_start3A_61 = arith.constant 0 : i32
      %dma_start3A_62 = tpu.memref_slice %arg9[%add3A_34, %dma_start3A_61] : memref<10240x16xf32, #tpu.memory_space<vmem_shared>> -> memref<128x16xf32, #tpu.memory_space<vmem_shared>>
      tpu.enqueue_dma source(%arg11 : memref<128x16xf32, #tpu.memory_space<vmem>>) target(%dma_start3A_62 : memref<128x16xf32, #tpu.memory_space<vmem_shared>>) target_semaphore(%run_scoped3A : memref<!tpu.dma_semaphore, #tpu.memory_space<semaphore_mem>>)
      %dma_wait3A = arith.constant 0 : i32
      %dma_wait3A_63 = tpu.memref_slice %arg9[%add3A_34, %dma_wait3A] : memref<10240x16xf32, #tpu.memory_space<vmem_shared>> -> memref<128x16xf32, #tpu.memory_space<vmem_shared>>
      %dma_wait3A_64 = arith.constant 0 : i32
      %dma_wait3A_65 = tpu.memref_slice %arg9[%add3A_34, %dma_wait3A_64] : memref<10240x16xf32, #tpu.memory_space<vmem_shared>> -> memref<128x16xf32, #tpu.memory_space<vmem_shared>>
      tpu.wait_dma2 semaphore(%run_scoped3A : memref<!tpu.dma_semaphore, #tpu.memory_space<semaphore_mem>>) src(%arg11 : memref<128x16xf32, #tpu.memory_space<vmem>>) dst(%dma_wait3A_65 : memref<128x16xf32, #tpu.memory_space<vmem_shared>>)
      tpu.yield
    }) : () -> ()
    %add3A_35 = arith.constant 512 : i32
    %add3A_36 = arith.addi %mul3A_19, %add3A_35 : i32
    "tpu.region"() ({
      %run_scoped3A = tpu.sem_alloc : memref<!tpu.dma_semaphore, #tpu.memory_space<semaphore_mem>>
      %dma_start3A = arith.constant 0 : i32
      %dma_start3A_60 = tpu.memref_slice %arg8[%add3A_36, %dma_start3A] : memref<10240x16xf32, #tpu.memory_space<vmem_shared>> -> memref<128x16xf32, #tpu.memory_space<vmem_shared>>
      %dma_start3A_61 = arith.constant 0 : i32
      %dma_start3A_62 = tpu.memref_slice %arg8[%add3A_36, %dma_start3A_61] : memref<10240x16xf32, #tpu.memory_space<vmem_shared>> -> memref<128x16xf32, #tpu.memory_space<vmem_shared>>
      tpu.enqueue_dma source(%arg11 : memref<128x16xf32, #tpu.memory_space<vmem>>) target(%dma_start3A_62 : memref<128x16xf32, #tpu.memory_space<vmem_shared>>) target_semaphore(%run_scoped3A : memref<!tpu.dma_semaphore, #tpu.memory_space<semaphore_mem>>)
      %dma_wait3A = arith.constant 0 : i32
      %dma_wait3A_63 = tpu.memref_slice %arg8[%add3A_36, %dma_wait3A] : memref<10240x16xf32, #tpu.memory_space<vmem_shared>> -> memref<128x16xf32, #tpu.memory_space<vmem_shared>>
      %dma_wait3A_64 = arith.constant 0 : i32
      %dma_wait3A_65 = tpu.memref_slice %arg8[%add3A_36, %dma_wait3A_64] : memref<10240x16xf32, #tpu.memory_space<vmem_shared>> -> memref<128x16xf32, #tpu.memory_space<vmem_shared>>
      tpu.wait_dma2 semaphore(%run_scoped3A : memref<!tpu.dma_semaphore, #tpu.memory_space<semaphore_mem>>) src(%arg11 : memref<128x16xf32, #tpu.memory_space<vmem>>) dst(%dma_wait3A_65 : memref<128x16xf32, #tpu.memory_space<vmem_shared>>)
      tpu.yield
    }) : () -> ()
    %add3A_37 = arith.constant 512 : i32
    %add3A_38 = arith.addi %mul3A_19, %add3A_37 : i32
    "tpu.region"() ({
      %run_scoped3A = tpu.sem_alloc : memref<!tpu.dma_semaphore, #tpu.memory_space<semaphore_mem>>
      %dma_start3A = arith.constant 0 : i32
      %dma_start3A_60 = tpu.memref_slice %arg9[%add3A_38, %dma_start3A] : memref<10240x16xf32, #tpu.memory_space<vmem_shared>> -> memref<128x16xf32, #tpu.memory_space<vmem_shared>>
      %dma_start3A_61 = arith.constant 0 : i32
      %dma_start3A_62 = tpu.memref_slice %arg9[%add3A_38, %dma_start3A_61] : memref<10240x16xf32, #tpu.memory_space<vmem_shared>> -> memref<128x16xf32, #tpu.memory_space<vmem_shared>>
      tpu.enqueue_dma source(%arg11 : memref<128x16xf32, #tpu.memory_space<vmem>>) target(%dma_start3A_62 : memref<128x16xf32, #tpu.memory_space<vmem_shared>>) target_semaphore(%run_scoped3A : memref<!tpu.dma_semaphore, #tpu.memory_space<semaphore_mem>>)
      %dma_wait3A = arith.constant 0 : i32
      %dma_wait3A_63 = tpu.memref_slice %arg9[%add3A_38, %dma_wait3A] : memref<10240x16xf32, #tpu.memory_space<vmem_shared>> -> memref<128x16xf32, #tpu.memory_space<vmem_shared>>
      %dma_wait3A_64 = arith.constant 0 : i32
      %dma_wait3A_65 = tpu.memref_slice %arg9[%add3A_38, %dma_wait3A_64] : memref<10240x16xf32, #tpu.memory_space<vmem_shared>> -> memref<128x16xf32, #tpu.memory_space<vmem_shared>>
      tpu.wait_dma2 semaphore(%run_scoped3A : memref<!tpu.dma_semaphore, #tpu.memory_space<semaphore_mem>>) src(%arg11 : memref<128x16xf32, #tpu.memory_space<vmem>>) dst(%dma_wait3A_65 : memref<128x16xf32, #tpu.memory_space<vmem_shared>>)
      tpu.yield
    }) : () -> ()
    %barrier3A = arith.constant 0 : index
    tpu.barrier barrier_id(%barrier3A)
    %get3A = arith.constant 0 : index
    %get3A_39 = tpu.vector_load %arg15[%get3A] {strides = array<i32>} : memref<16xi32, #tpu.memory_space<vmem>>, vector<16xi32>,
    %get3A_40 = vector.shape_cast %get3A_39 : vector<16xi32> to vector<16xi32>
    %mul3A_41 = arith.constant 20000 : i32
    %mul3A_42 = arith.muli %arg1, %mul3A_41 : i32
    %eq3A_43 = arith.constant 0 : i32
    %eq3A_44 = arith.cmpi eq, %arg0, %eq3A_43 : i32
    %convert_element_type3A = arith.extui %eq3A_44 : i1 to i32
    %cond3A = arith.constant 0 : i32
    %cond3A_45 = arith.cmpi ne, %convert_element_type3A, %cond3A : i32
    scf.if %cond3A_45 {
      %scan3A_60 = arith.constant 0 : i32
      %scan3A_61 = arith.constant 0 : i32
      %scan3A_62 = arith.constant 250 : i32
      %scan3A_63 = arith.addi %scan3A_61, %scan3A_62 : i32
      %scan3A_64 = arith.constant 1 : i32
      %scan3A_65 = scf.for %scan3A_67 = %scan3A_61 to %scan3A_63 step %scan3A_64 iter_args(%scan3A_68 = %scan3A_60) -> (i32)  : i32 {
        %mul3A_69 = arith.constant 80 : i32
        %mul3A_70 = arith.muli %scan3A_67, %mul3A_69 : i32
        %add3A_71 = arith.addi %mul3A_42, %mul3A_70 : i32
        "tpu.region"() ({
          %run_scoped3A = tpu.sem_alloc : memref<!tpu.dma_semaphore, #tpu.memory_space<semaphore_mem>>
          %dma_start3A = tpu.memref_slice %arg2[%add3A_71] : memref<320000xi32, #tpu.memory_space<hbm>> -> memref<80xi32, #tpu.memory_space<hbm>>
          %dma_start3A_142 = tpu.memref_slice %arg2[%add3A_71] : memref<320000xi32, #tpu.memory_space<hbm>> -> memref<80xi32, #tpu.memory_space<hbm>>
          tpu.enqueue_dma source(%dma_start3A_142 : memref<80xi32, #tpu.memory_space<hbm>>) target(%arg12 : memref<80xi32, #tpu.memory_space<vmem>>) target_semaphore(%run_scoped3A : memref<!tpu.dma_semaphore, #tpu.memory_space<semaphore_mem>>)
          %dma_wait3A = tpu.memref_slice %arg2[%add3A_71] : memref<320000xi32, #tpu.memory_space<hbm>> -> memref<80xi32, #tpu.memory_space<hbm>>
          %dma_wait3A_143 = tpu.memref_slice %arg2[%add3A_71] : memref<320000xi32, #tpu.memory_space<hbm>> -> memref<80xi32, #tpu.memory_space<hbm>>
          tpu.wait_dma2 semaphore(%run_scoped3A : memref<!tpu.dma_semaphore, #tpu.memory_space<semaphore_mem>>) src(%dma_wait3A_143 : memref<80xi32, #tpu.memory_space<hbm>>) dst(%arg12 : memref<80xi32, #tpu.memory_space<vmem>>)
          tpu.yield
        }) : () -> ()
        "tpu.region"() ({
          %run_scoped3A = tpu.sem_alloc : memref<!tpu.dma_semaphore, #tpu.memory_space<semaphore_mem>>
          %dma_start3A = tpu.memref_slice %arg3[%add3A_71] : memref<320000xi32, #tpu.memory_space<hbm>> -> memref<80xi32, #tpu.memory_space<hbm>>
          %dma_start3A_142 = tpu.memref_slice %arg3[%add3A_71] : memref<320000xi32, #tpu.memory_space<hbm>> -> memref<80xi32, #tpu.memory_space<hbm>>
          tpu.enqueue_dma source(%dma_start3A_142 : memref<80xi32, #tpu.memory_space<hbm>>) target(%arg13 : memref<80xi32, #tpu.memory_space<vmem>>) target_semaphore(%run_scoped3A : memref<!tpu.dma_semaphore, #tpu.memory_space<semaphore_mem>>)
          %dma_wait3A = tpu.memref_slice %arg3[%add3A_71] : memref<320000xi32, #tpu.memory_space<hbm>> -> memref<80xi32, #tpu.memory_space<hbm>>
          %dma_wait3A_143 = tpu.memref_slice %arg3[%add3A_71] : memref<320000xi32, #tpu.memory_space<hbm>> -> memref<80xi32, #tpu.memory_space<hbm>>
          tpu.wait_dma2 semaphore(%run_scoped3A : memref<!tpu.dma_semaphore, #tpu.memory_space<semaphore_mem>>) src(%dma_wait3A_143 : memref<80xi32, #tpu.memory_space<hbm>>) dst(%arg13 : memref<80xi32, #tpu.memory_space<vmem>>)
          tpu.yield
        }) : () -> ()
        %get3A_72 = arith.constant 0 : index
        %get3A_73 = tpu.vector_load %arg12[%get3A_72] {strides = array<i32>} : memref<80xi32, #tpu.memory_space<vmem>>, vector<16xi32>,
        %get3A_74 = vector.shape_cast %get3A_73 : vector<16xi32> to vector<16xi32>
        %get3A_75 = arith.constant 0 : index
        %get3A_76 = tpu.vector_load %arg13[%get3A_75] {strides = array<i32>} : memref<80xi32, #tpu.memory_space<vmem>>, vector<16xi32>,
        %get3A_77 = vector.shape_cast %get3A_76 : vector<16xi32> to vector<16xi32>
        %eq3A_78 = arith.cmpi eq, %get3A_74, %get3A_40 : vector<16xi32>
        %jit3A_79 = arith.constant 10232 : i32
        %broadcast_in_dim3A_80 = vector.broadcast %jit3A_79 : i32 to vector<16xi32>
        %select_n3A_81 = arith.select %eq3A_78, %get3A_77, %broadcast_in_dim3A_80 : vector<16xi1>, vector<16xi32>
        %swap3A = arith.constant 0 : index
        %swap3A_82 = tpu.vector_load %arg14[%swap3A] {strides = array<i32>} : memref<80xi32, #tpu.memory_space<vmem>>, vector<16xi32>,
        %swap3A_83 = vector.shape_cast %swap3A_82 : vector<16xi32> to vector<16xi32>
        %swap3A_84 = vector.shape_cast %select_n3A_81 : vector<16xi32> to vector<16xi32>
        tpu.vector_store %arg14[%swap3A], %swap3A_84 {strides = array<i32>} : memref<80xi32, #tpu.memory_space<vmem>>, vector<16xi32>,
        %get3A_85 = arith.constant 16 : index
        %get3A_86 = tpu.vector_load %arg12[%get3A_85] {strides = array<i32>} : memref<80xi32, #tpu.memory_space<vmem>>, vector<16xi32>,
        %get3A_87 = vector.shape_cast %get3A_86 : vector<16xi32> to vector<16xi32>
        %get3A_88 = arith.constant 16 : index
        %get3A_89 = tpu.vector_load %arg13[%get3A_88] {strides = array<i32>} : memref<80xi32, #tpu.memory_space<vmem>>, vector<16xi32>,
        %get3A_90 = vector.shape_cast %get3A_89 : vector<16xi32> to vector<16xi32>
        %eq3A_91 = arith.cmpi eq, %get3A_87, %get3A_40 : vector<16xi32>
        %jit3A_92 = arith.constant 10232 : i32
        %broadcast_in_dim3A_93 = vector.broadcast %jit3A_92 : i32 to vector<16xi32>
        %select_n3A_94 = arith.select %eq3A_91, %get3A_90, %broadcast_in_dim3A_93 : vector<16xi1>, vector<16xi32>
        %swap3A_95 = arith.constant 16 : index
        %swap3A_96 = tpu.vector_load %arg14[%swap3A_95] {strides = array<i32>} : memref<80xi32, #tpu.memory_space<vmem>>, vector<16xi32>,
        %swap3A_97 = vector.shape_cast %swap3A_96 : vector<16xi32> to vector<16xi32>
        %swap3A_98 = vector.shape_cast %select_n3A_94 : vector<16xi32> to vector<16xi32>
        tpu.vector_store %arg14[%swap3A_95], %swap3A_98 {strides = array<i32>} : memref<80xi32, #tpu.memory_space<vmem>>, vector<16xi32>,
        %get3A_99 = arith.constant 32 : index
        %get3A_100 = tpu.vector_load %arg12[%get3A_99] {strides = array<i32>} : memref<80xi32, #tpu.memory_space<vmem>>, vector<16xi32>,
        %get3A_101 = vector.shape_cast %get3A_100 : vector<16xi32> to vector<16xi32>
        %get3A_102 = arith.constant 32 : index
        %get3A_103 = tpu.vector_load %arg13[%get3A_102] {strides = array<i32>} : memref<80xi32, #tpu.memory_space<vmem>>, vector<16xi32>,
        %get3A_104 = vector.shape_cast %get3A_103 : vector<16xi32> to vector<16xi32>
        %eq3A_105 = arith.cmpi eq, %get3A_101, %get3A_40 : vector<16xi32>
        %jit3A_106 = arith.constant 10232 : i32
        %broadcast_in_dim3A_107 = vector.broadcast %jit3A_106 : i32 to vector<16xi32>
        %select_n3A_108 = arith.select %eq3A_105, %get3A_104, %broadcast_in_dim3A_107 : vector<16xi1>, vector<16xi32>
        %swap3A_109 = arith.constant 32 : index
        %swap3A_110 = tpu.vector_load %arg14[%swap3A_109] {strides = array<i32>} : memref<80xi32, #tpu.memory_space<vmem>>, vector<16xi32>,
        %swap3A_111 = vector.shape_cast %swap3A_110 : vector<16xi32> to vector<16xi32>
        %swap3A_112 = vector.shape_cast %select_n3A_108 : vector<16xi32> to vector<16xi32>
        tpu.vector_store %arg14[%swap3A_109], %swap3A_112 {strides = array<i32>} : memref<80xi32, #tpu.memory_space<vmem>>, vector<16xi32>,
        %get3A_113 = arith.constant 48 : index
        %get3A_114 = tpu.vector_load %arg12[%get3A_113] {strides = array<i32>} : memref<80xi32, #tpu.memory_space<vmem>>, vector<16xi32>,
        %get3A_115 = vector.shape_cast %get3A_114 : vector<16xi32> to vector<16xi32>
        %get3A_116 = arith.constant 48 : index
        %get3A_117 = tpu.vector_load %arg13[%get3A_116] {strides = array<i32>} : memref<80xi32, #tpu.memory_space<vmem>>, vector<16xi32>,
        %get3A_118 = vector.shape_cast %get3A_117 : vector<16xi32> to vector<16xi32>
        %eq3A_119 = arith.cmpi eq, %get3A_115, %get3A_40 : vector<16xi32>
        %jit3A_120 = arith.constant 10232 : i32
        %broadcast_in_dim3A_121 = vector.broadcast %jit3A_120 : i32 to vector<16xi32>
        %select_n3A_122 = arith.select %eq3A_119, %get3A_118, %broadcast_in_dim3A_121 : vector<16xi1>, vector<16xi32>
        %swap3A_123 = arith.constant 48 : index
        %swap3A_124 = tpu.vector_load %arg14[%swap3A_123] {strides = array<i32>} : memref<80xi32, #tpu.memory_space<vmem>>, vector<16xi32>,
        %swap3A_125 = vector.shape_cast %swap3A_124 : vector<16xi32> to vector<16xi32>
        %swap3A_126 = vector.shape_cast %select_n3A_122 : vector<16xi32> to vector<16xi32>
        tpu.vector_store %arg14[%swap3A_123], %swap3A_126 {strides = array<i32>} : memref<80xi32, #tpu.memory_space<vmem>>, vector<16xi32>,
        %get3A_127 = arith.constant 64 : index
        %get3A_128 = tpu.vector_load %arg12[%get3A_127] {strides = array<i32>} : memref<80xi32, #tpu.memory_space<vmem>>, vector<16xi32>,
        %get3A_129 = vector.shape_cast %get3A_128 : vector<16xi32> to vector<16xi32>
        %get3A_130 = arith.constant 64 : index
        %get3A_131 = tpu.vector_load %arg13[%get3A_130] {strides = array<i32>} : memref<80xi32, #tpu.memory_space<vmem>>, vector<16xi32>,
        %get3A_132 = vector.shape_cast %get3A_131 : vector<16xi32> to vector<16xi32>
        %eq3A_133 = arith.cmpi eq, %get3A_129, %get3A_40 : vector<16xi32>
        %jit3A_134 = arith.constant 10232 : i32
        %broadcast_in_dim3A_135 = vector.broadcast %jit3A_134 : i32 to vector<16xi32>
        %select_n3A_136 = arith.select %eq3A_133, %get3A_132, %broadcast_in_dim3A_135 : vector<16xi1>, vector<16xi32>
        %swap3A_137 = arith.constant 64 : index
        %swap3A_138 = tpu.vector_load %arg14[%swap3A_137] {strides = array<i32>} : memref<80xi32, #tpu.memory_space<vmem>>, vector<16xi32>,
        %swap3A_139 = vector.shape_cast %swap3A_138 : vector<16xi32> to vector<16xi32>
        %swap3A_140 = vector.shape_cast %select_n3A_136 : vector<16xi32> to vector<16xi32>
        tpu.vector_store %arg14[%swap3A_137], %swap3A_140 {strides = array<i32>} : memref<80xi32, #tpu.memory_space<vmem>>, vector<16xi32>,
        "tpu.region"() ({
          %run_scoped3A = tpu.sem_alloc : memref<!tpu.dma_semaphore, #tpu.memory_space<semaphore_mem>>
          %dma_start3A = arith.constant 0 : i32
          %dma_start3A_142 = arith.constant 0 : i32
          %dma_start3A_143 = tpu.memref_slice %arg8[%dma_start3A, %dma_start3A_142] : memref<10240x16xf32, #tpu.memory_space<vmem_shared>> -> memref<10240x16xf32, #tpu.memory_space<vmem_shared>>
          tpu.enqueue_indirect_dma source(%arg10 : memref<80x16xf32, #tpu.memory_space<vmem>>) target(%dma_start3A_143 : memref<10240x16xf32, #tpu.memory_space<vmem_shared>>) offsets(%arg13 : memref<80xi32, #tpu.memory_space<vmem>>) semaphore(%run_scoped3A : memref<!tpu.dma_semaphore, #tpu.memory_space<semaphore_mem>>) {add = true}
          %dma_wait3A = arith.constant 0 : i32
          %dma_wait3A_144 = arith.constant 0 : i32
          %dma_wait3A_145 = tpu.memref_slice %arg8[%dma_wait3A, %dma_wait3A_144] : memref<10240x16xf32, #tpu.memory_space<vmem_shared>> -> memref<10240x16xf32, #tpu.memory_space<vmem_shared>>
          tpu.wait_indirect_dma semaphore(%run_scoped3A : memref<!tpu.dma_semaphore, #tpu.memory_space<semaphore_mem>>) src(%arg10 : memref<80x16xf32, #tpu.memory_space<vmem>>) dst(%dma_wait3A_145 : memref<10240x16xf32, #tpu.memory_space<vmem_shared>>)
          tpu.yield
        }) : () -> ()
        "tpu.region"() ({
          %run_scoped3A = tpu.sem_alloc : memref<!tpu.dma_semaphore, #tpu.memory_space<semaphore_mem>>
          %dma_start3A = arith.constant 0 : i32
          %dma_start3A_142 = arith.constant 0 : i32
          %dma_start3A_143 = tpu.memref_slice %arg9[%dma_start3A, %dma_start3A_142] : memref<10240x16xf32, #tpu.memory_space<vmem_shared>> -> memref<10240x16xf32, #tpu.memory_space<vmem_shared>>
          tpu.enqueue_indirect_dma source(%arg10 : memref<80x16xf32, #tpu.memory_space<vmem>>) target(%dma_start3A_143 : memref<10240x16xf32, #tpu.memory_space<vmem_shared>>) offsets(%arg14 : memref<80xi32, #tpu.memory_space<vmem>>) semaphore(%run_scoped3A : memref<!tpu.dma_semaphore, #tpu.memory_space<semaphore_mem>>) {add = true}
          %dma_wait3A = arith.constant 0 : i32
          %dma_wait3A_144 = arith.constant 0 : i32
          %dma_wait3A_145 = tpu.memref_slice %arg9[%dma_wait3A, %dma_wait3A_144] : memref<10240x16xf32, #tpu.memory_space<vmem_shared>> -> memref<10240x16xf32, #tpu.memory_space<vmem_shared>>
          tpu.wait_indirect_dma semaphore(%run_scoped3A : memref<!tpu.dma_semaphore, #tpu.memory_space<semaphore_mem>>) src(%arg10 : memref<80x16xf32, #tpu.memory_space<vmem>>) dst(%dma_wait3A_145 : memref<10240x16xf32, #tpu.memory_space<vmem_shared>>)
          tpu.yield
        }) : () -> ()
        %scan3A_141 = arith.constant 0 : i32
        scf.yield %scan3A_141 : i32
      }
      %scan3A_66 = arith.constant 250 : i32
    } else {
    }
    %eq3A_46 = arith.constant 1 : i32
    %eq3A_47 = arith.cmpi eq, %arg0, %eq3A_46 : i32
    %convert_element_type3A_48 = arith.extui %eq3A_47 : i1 to i32
    %cond3A_49 = arith.constant 0 : i32
    %cond3A_50 = arith.cmpi ne, %convert_element_type3A_48, %cond3A_49 : i32
    scf.if %cond3A_50 {
      %scan3A_60 = arith.constant 0 : i32
      %scan3A_61 = arith.constant 0 : i32
      %scan3A_62 = arith.constant 250 : i32
      %scan3A_63 = arith.addi %scan3A_61, %scan3A_62 : i32
      %scan3A_64 = arith.constant 1 : i32
      %scan3A_65 = scf.for %scan3A_67 = %scan3A_61 to %scan3A_63 step %scan3A_64 iter_args(%scan3A_68 = %scan3A_60) -> (i32)  : i32 {
        %mul3A_69 = arith.constant 80 : i32
        %mul3A_70 = arith.muli %scan3A_67, %mul3A_69 : i32
        %add3A_71 = arith.addi %mul3A_42, %mul3A_70 : i32
        "tpu.region"() ({
          %run_scoped3A = tpu.sem_alloc : memref<!tpu.dma_semaphore, #tpu.memory_space<semaphore_mem>>
          %dma_start3A = tpu.memref_slice %arg4[%add3A_71] : memref<320000xi32, #tpu.memory_space<hbm>> -> memref<80xi32, #tpu.memory_space<hbm>>
          %dma_start3A_142 = tpu.memref_slice %arg4[%add3A_71] : memref<320000xi32, #tpu.memory_space<hbm>> -> memref<80xi32, #tpu.memory_space<hbm>>
          tpu.enqueue_dma source(%dma_start3A_142 : memref<80xi32, #tpu.memory_space<hbm>>) target(%arg12 : memref<80xi32, #tpu.memory_space<vmem>>) target_semaphore(%run_scoped3A : memref<!tpu.dma_semaphore, #tpu.memory_space<semaphore_mem>>)
          %dma_wait3A = tpu.memref_slice %arg4[%add3A_71] : memref<320000xi32, #tpu.memory_space<hbm>> -> memref<80xi32, #tpu.memory_space<hbm>>
          %dma_wait3A_143 = tpu.memref_slice %arg4[%add3A_71] : memref<320000xi32, #tpu.memory_space<hbm>> -> memref<80xi32, #tpu.memory_space<hbm>>
          tpu.wait_dma2 semaphore(%run_scoped3A : memref<!tpu.dma_semaphore, #tpu.memory_space<semaphore_mem>>) src(%dma_wait3A_143 : memref<80xi32, #tpu.memory_space<hbm>>) dst(%arg12 : memref<80xi32, #tpu.memory_space<vmem>>)
          tpu.yield
        }) : () -> ()
        "tpu.region"() ({
          %run_scoped3A = tpu.sem_alloc : memref<!tpu.dma_semaphore, #tpu.memory_space<semaphore_mem>>
          %dma_start3A = tpu.memref_slice %arg5[%add3A_71] : memref<320000xi32, #tpu.memory_space<hbm>> -> memref<80xi32, #tpu.memory_space<hbm>>
          %dma_start3A_142 = tpu.memref_slice %arg5[%add3A_71] : memref<320000xi32, #tpu.memory_space<hbm>> -> memref<80xi32, #tpu.memory_space<hbm>>
          tpu.enqueue_dma source(%dma_start3A_142 : memref<80xi32, #tpu.memory_space<hbm>>) target(%arg13 : memref<80xi32, #tpu.memory_space<vmem>>) target_semaphore(%run_scoped3A : memref<!tpu.dma_semaphore, #tpu.memory_space<semaphore_mem>>)
          %dma_wait3A = tpu.memref_slice %arg5[%add3A_71] : memref<320000xi32, #tpu.memory_space<hbm>> -> memref<80xi32, #tpu.memory_space<hbm>>
          %dma_wait3A_143 = tpu.memref_slice %arg5[%add3A_71] : memref<320000xi32, #tpu.memory_space<hbm>> -> memref<80xi32, #tpu.memory_space<hbm>>
          tpu.wait_dma2 semaphore(%run_scoped3A : memref<!tpu.dma_semaphore, #tpu.memory_space<semaphore_mem>>) src(%dma_wait3A_143 : memref<80xi32, #tpu.memory_space<hbm>>) dst(%arg13 : memref<80xi32, #tpu.memory_space<vmem>>)
          tpu.yield
        }) : () -> ()
        %get3A_72 = arith.constant 0 : index
        %get3A_73 = tpu.vector_load %arg12[%get3A_72] {strides = array<i32>} : memref<80xi32, #tpu.memory_space<vmem>>, vector<16xi32>,
        %get3A_74 = vector.shape_cast %get3A_73 : vector<16xi32> to vector<16xi32>
        %get3A_75 = arith.constant 0 : index
        %get3A_76 = tpu.vector_load %arg13[%get3A_75] {strides = array<i32>} : memref<80xi32, #tpu.memory_space<vmem>>, vector<16xi32>,
        %get3A_77 = vector.shape_cast %get3A_76 : vector<16xi32> to vector<16xi32>
        %eq3A_78 = arith.cmpi eq, %get3A_74, %get3A_40 : vector<16xi32>
        %jit3A_79 = arith.constant 10232 : i32
        %broadcast_in_dim3A_80 = vector.broadcast %jit3A_79 : i32 to vector<16xi32>
        %select_n3A_81 = arith.select %eq3A_78, %get3A_77, %broadcast_in_dim3A_80 : vector<16xi1>, vector<16xi32>
        %swap3A = arith.constant 0 : index
        %swap3A_82 = tpu.vector_load %arg14[%swap3A] {strides = array<i32>} : memref<80xi32, #tpu.memory_space<vmem>>, vector<16xi32>,
        %swap3A_83 = vector.shape_cast %swap3A_82 : vector<16xi32> to vector<16xi32>
        %swap3A_84 = vector.shape_cast %select_n3A_81 : vector<16xi32> to vector<16xi32>
        tpu.vector_store %arg14[%swap3A], %swap3A_84 {strides = array<i32>} : memref<80xi32, #tpu.memory_space<vmem>>, vector<16xi32>,
        %get3A_85 = arith.constant 16 : index
        %get3A_86 = tpu.vector_load %arg12[%get3A_85] {strides = array<i32>} : memref<80xi32, #tpu.memory_space<vmem>>, vector<16xi32>,
        %get3A_87 = vector.shape_cast %get3A_86 : vector<16xi32> to vector<16xi32>
        %get3A_88 = arith.constant 16 : index
        %get3A_89 = tpu.vector_load %arg13[%get3A_88] {strides = array<i32>} : memref<80xi32, #tpu.memory_space<vmem>>, vector<16xi32>,
        %get3A_90 = vector.shape_cast %get3A_89 : vector<16xi32> to vector<16xi32>
        %eq3A_91 = arith.cmpi eq, %get3A_87, %get3A_40 : vector<16xi32>
        %jit3A_92 = arith.constant 10232 : i32
        %broadcast_in_dim3A_93 = vector.broadcast %jit3A_92 : i32 to vector<16xi32>
        %select_n3A_94 = arith.select %eq3A_91, %get3A_90, %broadcast_in_dim3A_93 : vector<16xi1>, vector<16xi32>
        %swap3A_95 = arith.constant 16 : index
        %swap3A_96 = tpu.vector_load %arg14[%swap3A_95] {strides = array<i32>} : memref<80xi32, #tpu.memory_space<vmem>>, vector<16xi32>,
        %swap3A_97 = vector.shape_cast %swap3A_96 : vector<16xi32> to vector<16xi32>
        %swap3A_98 = vector.shape_cast %select_n3A_94 : vector<16xi32> to vector<16xi32>
        tpu.vector_store %arg14[%swap3A_95], %swap3A_98 {strides = array<i32>} : memref<80xi32, #tpu.memory_space<vmem>>, vector<16xi32>,
        %get3A_99 = arith.constant 32 : index
        %get3A_100 = tpu.vector_load %arg12[%get3A_99] {strides = array<i32>} : memref<80xi32, #tpu.memory_space<vmem>>, vector<16xi32>,
        %get3A_101 = vector.shape_cast %get3A_100 : vector<16xi32> to vector<16xi32>
        %get3A_102 = arith.constant 32 : index
        %get3A_103 = tpu.vector_load %arg13[%get3A_102] {strides = array<i32>} : memref<80xi32, #tpu.memory_space<vmem>>, vector<16xi32>,
        %get3A_104 = vector.shape_cast %get3A_103 : vector<16xi32> to vector<16xi32>
        %eq3A_105 = arith.cmpi eq, %get3A_101, %get3A_40 : vector<16xi32>
        %jit3A_106 = arith.constant 10232 : i32
        %broadcast_in_dim3A_107 = vector.broadcast %jit3A_106 : i32 to vector<16xi32>
        %select_n3A_108 = arith.select %eq3A_105, %get3A_104, %broadcast_in_dim3A_107 : vector<16xi1>, vector<16xi32>
        %swap3A_109 = arith.constant 32 : index
        %swap3A_110 = tpu.vector_load %arg14[%swap3A_109] {strides = array<i32>} : memref<80xi32, #tpu.memory_space<vmem>>, vector<16xi32>,
        %swap3A_111 = vector.shape_cast %swap3A_110 : vector<16xi32> to vector<16xi32>
        %swap3A_112 = vector.shape_cast %select_n3A_108 : vector<16xi32> to vector<16xi32>
        tpu.vector_store %arg14[%swap3A_109], %swap3A_112 {strides = array<i32>} : memref<80xi32, #tpu.memory_space<vmem>>, vector<16xi32>,
        %get3A_113 = arith.constant 48 : index
        %get3A_114 = tpu.vector_load %arg12[%get3A_113] {strides = array<i32>} : memref<80xi32, #tpu.memory_space<vmem>>, vector<16xi32>,
        %get3A_115 = vector.shape_cast %get3A_114 : vector<16xi32> to vector<16xi32>
        %get3A_116 = arith.constant 48 : index
        %get3A_117 = tpu.vector_load %arg13[%get3A_116] {strides = array<i32>} : memref<80xi32, #tpu.memory_space<vmem>>, vector<16xi32>,
        %get3A_118 = vector.shape_cast %get3A_117 : vector<16xi32> to vector<16xi32>
        %eq3A_119 = arith.cmpi eq, %get3A_115, %get3A_40 : vector<16xi32>
        %jit3A_120 = arith.constant 10232 : i32
        %broadcast_in_dim3A_121 = vector.broadcast %jit3A_120 : i32 to vector<16xi32>
        %select_n3A_122 = arith.select %eq3A_119, %get3A_118, %broadcast_in_dim3A_121 : vector<16xi1>, vector<16xi32>
        %swap3A_123 = arith.constant 48 : index
        %swap3A_124 = tpu.vector_load %arg14[%swap3A_123] {strides = array<i32>} : memref<80xi32, #tpu.memory_space<vmem>>, vector<16xi32>,
        %swap3A_125 = vector.shape_cast %swap3A_124 : vector<16xi32> to vector<16xi32>
        %swap3A_126 = vector.shape_cast %select_n3A_122 : vector<16xi32> to vector<16xi32>
        tpu.vector_store %arg14[%swap3A_123], %swap3A_126 {strides = array<i32>} : memref<80xi32, #tpu.memory_space<vmem>>, vector<16xi32>,
        %get3A_127 = arith.constant 64 : index
        %get3A_128 = tpu.vector_load %arg12[%get3A_127] {strides = array<i32>} : memref<80xi32, #tpu.memory_space<vmem>>, vector<16xi32>,
        %get3A_129 = vector.shape_cast %get3A_128 : vector<16xi32> to vector<16xi32>
        %get3A_130 = arith.constant 64 : index
        %get3A_131 = tpu.vector_load %arg13[%get3A_130] {strides = array<i32>} : memref<80xi32, #tpu.memory_space<vmem>>, vector<16xi32>,
        %get3A_132 = vector.shape_cast %get3A_131 : vector<16xi32> to vector<16xi32>
        %eq3A_133 = arith.cmpi eq, %get3A_129, %get3A_40 : vector<16xi32>
        %jit3A_134 = arith.constant 10232 : i32
        %broadcast_in_dim3A_135 = vector.broadcast %jit3A_134 : i32 to vector<16xi32>
        %select_n3A_136 = arith.select %eq3A_133, %get3A_132, %broadcast_in_dim3A_135 : vector<16xi1>, vector<16xi32>
        %swap3A_137 = arith.constant 64 : index
        %swap3A_138 = tpu.vector_load %arg14[%swap3A_137] {strides = array<i32>} : memref<80xi32, #tpu.memory_space<vmem>>, vector<16xi32>,
        %swap3A_139 = vector.shape_cast %swap3A_138 : vector<16xi32> to vector<16xi32>
        %swap3A_140 = vector.shape_cast %select_n3A_136 : vector<16xi32> to vector<16xi32>
        tpu.vector_store %arg14[%swap3A_137], %swap3A_140 {strides = array<i32>} : memref<80xi32, #tpu.memory_space<vmem>>, vector<16xi32>,
        "tpu.region"() ({
          %run_scoped3A = tpu.sem_alloc : memref<!tpu.dma_semaphore, #tpu.memory_space<semaphore_mem>>
          %dma_start3A = arith.constant 0 : i32
          %dma_start3A_142 = arith.constant 0 : i32
          %dma_start3A_143 = tpu.memref_slice %arg8[%dma_start3A, %dma_start3A_142] : memref<10240x16xf32, #tpu.memory_space<vmem_shared>> -> memref<10240x16xf32, #tpu.memory_space<vmem_shared>>
          tpu.enqueue_indirect_dma source(%arg10 : memref<80x16xf32, #tpu.memory_space<vmem>>) target(%dma_start3A_143 : memref<10240x16xf32, #tpu.memory_space<vmem_shared>>) offsets(%arg13 : memref<80xi32, #tpu.memory_space<vmem>>) semaphore(%run_scoped3A : memref<!tpu.dma_semaphore, #tpu.memory_space<semaphore_mem>>) {add = true}
          %dma_wait3A = arith.constant 0 : i32
          %dma_wait3A_144 = arith.constant 0 : i32
          %dma_wait3A_145 = tpu.memref_slice %arg8[%dma_wait3A, %dma_wait3A_144] : memref<10240x16xf32, #tpu.memory_space<vmem_shared>> -> memref<10240x16xf32, #tpu.memory_space<vmem_shared>>
          tpu.wait_indirect_dma semaphore(%run_scoped3A : memref<!tpu.dma_semaphore, #tpu.memory_space<semaphore_mem>>) src(%arg10 : memref<80x16xf32, #tpu.memory_space<vmem>>) dst(%dma_wait3A_145 : memref<10240x16xf32, #tpu.memory_space<vmem_shared>>)
          tpu.yield
        }) : () -> ()
        "tpu.region"() ({
          %run_scoped3A = tpu.sem_alloc : memref<!tpu.dma_semaphore, #tpu.memory_space<semaphore_mem>>
          %dma_start3A = arith.constant 0 : i32
          %dma_start3A_142 = arith.constant 0 : i32
          %dma_start3A_143 = tpu.memref_slice %arg9[%dma_start3A, %dma_start3A_142] : memref<10240x16xf32, #tpu.memory_space<vmem_shared>> -> memref<10240x16xf32, #tpu.memory_space<vmem_shared>>
          tpu.enqueue_indirect_dma source(%arg10 : memref<80x16xf32, #tpu.memory_space<vmem>>) target(%dma_start3A_143 : memref<10240x16xf32, #tpu.memory_space<vmem_shared>>) offsets(%arg14 : memref<80xi32, #tpu.memory_space<vmem>>) semaphore(%run_scoped3A : memref<!tpu.dma_semaphore, #tpu.memory_space<semaphore_mem>>) {add = true}
          %dma_wait3A = arith.constant 0 : i32
          %dma_wait3A_144 = arith.constant 0 : i32
          %dma_wait3A_145 = tpu.memref_slice %arg9[%dma_wait3A, %dma_wait3A_144] : memref<10240x16xf32, #tpu.memory_space<vmem_shared>> -> memref<10240x16xf32, #tpu.memory_space<vmem_shared>>
          tpu.wait_indirect_dma semaphore(%run_scoped3A : memref<!tpu.dma_semaphore, #tpu.memory_space<semaphore_mem>>) src(%arg10 : memref<80x16xf32, #tpu.memory_space<vmem>>) dst(%dma_wait3A_145 : memref<10240x16xf32, #tpu.memory_space<vmem_shared>>)
          tpu.yield
        }) : () -> ()
        %scan3A_141 = arith.constant 0 : i32
        scf.yield %scan3A_141 : i32
      }
      %scan3A_66 = arith.constant 250 : i32
    } else {
    }
    %barrier3A_51 = arith.constant 0 : index
    tpu.barrier barrier_id(%barrier3A_51)
    %mul3A_52 = arith.constant 10240 : i32
    %mul3A_53 = arith.muli %arg0, %mul3A_52 : i32
    %add3A_54 = arith.addi %mul3A_53, %mul3A_19 : i32
    "tpu.region"() ({
      %run_scoped3A = tpu.sem_alloc : memref<!tpu.dma_semaphore, #tpu.memory_space<semaphore_mem>>
      %dma_start3A = arith.constant 0 : i32
      %dma_start3A_60 = tpu.memref_slice %arg7[%add3A_54, %dma_start3A] : memref<40960x16xf32, #tpu.memory_space<hbm>> -> memref<640x16xf32, #tpu.memory_space<hbm>>
      %dma_start3A_61 = arith.constant 0 : i32
      %dma_start3A_62 = tpu.memref_slice %arg8[%mul3A_19, %dma_start3A_61] : memref<10240x16xf32, #tpu.memory_space<vmem_shared>> -> memref<640x16xf32, #tpu.memory_space<vmem_shared>>
      tpu.enqueue_dma source(%dma_start3A_62 : memref<640x16xf32, #tpu.memory_space<vmem_shared>>) target(%dma_start3A_60 : memref<640x16xf32, #tpu.memory_space<hbm>>) target_semaphore(%run_scoped3A : memref<!tpu.dma_semaphore, #tpu.memory_space<semaphore_mem>>)
      %dma_wait3A = arith.constant 0 : i32
      %dma_wait3A_63 = tpu.memref_slice %arg7[%add3A_54, %dma_wait3A] : memref<40960x16xf32, #tpu.memory_space<hbm>> -> memref<640x16xf32, #tpu.memory_space<hbm>>
      %dma_wait3A_64 = arith.constant 0 : i32
      %dma_wait3A_65 = tpu.memref_slice %arg8[%mul3A_19, %dma_wait3A_64] : memref<10240x16xf32, #tpu.memory_space<vmem_shared>> -> memref<640x16xf32, #tpu.memory_space<vmem_shared>>
      tpu.wait_dma2 semaphore(%run_scoped3A : memref<!tpu.dma_semaphore, #tpu.memory_space<semaphore_mem>>) src(%dma_wait3A_65 : memref<640x16xf32, #tpu.memory_space<vmem_shared>>) dst(%dma_wait3A_63 : memref<640x16xf32, #tpu.memory_space<hbm>>)
      tpu.yield
    }) : () -> ()
    %mul3A_55 = arith.constant 10240 : i32
    %mul3A_56 = arith.muli %arg0, %mul3A_55 : i32
    %add3A_57 = arith.constant 20480 : i32
    %add3A_58 = arith.addi %add3A_57, %mul3A_56 : i32
    %add3A_59 = arith.addi %add3A_58, %mul3A_19 : i32
    "tpu.region"() ({
      %run_scoped3A = tpu.sem_alloc : memref<!tpu.dma_semaphore, #tpu.memory_space<semaphore_mem>>
      %dma_start3A = arith.constant 0 : i32
      %dma_start3A_60 = tpu.memref_slice %arg7[%add3A_59, %dma_start3A] : memref<40960x16xf32, #tpu.memory_space<hbm>> -> memref<640x16xf32, #tpu.memory_space<hbm>>
      %dma_start3A_61 = arith.constant 0 : i32
      %dma_start3A_62 = tpu.memref_slice %arg9[%mul3A_19, %dma_start3A_61] : memref<10240x16xf32, #tpu.memory_space<vmem_shared>> -> memref<640x16xf32, #tpu.memory_space<vmem_shared>>
      tpu.enqueue_dma source(%dma_start3A_62 : memref<640x16xf32, #tpu.memory_space<vmem_shared>>) target(%dma_start3A_60 : memref<640x16xf32, #tpu.memory_space<hbm>>) target_semaphore(%run_scoped3A : memref<!tpu.dma_semaphore, #tpu.memory_space<semaphore_mem>>)
      %dma_wait3A = arith.constant 0 : i32
      %dma_wait3A_63 = tpu.memref_slice %arg7[%add3A_59, %dma_wait3A] : memref<40960x16xf32, #tpu.memory_space<hbm>> -> memref<640x16xf32, #tpu.memory_space<hbm>>
      %dma_wait3A_64 = arith.constant 0 : i32
      %dma_wait3A_65 = tpu.memref_slice %arg9[%mul3A_19, %dma_wait3A_64] : memref<10240x16xf32, #tpu.memory_space<vmem_shared>> -> memref<640x16xf32, #tpu.memory_space<vmem_shared>>
      tpu.wait_dma2 semaphore(%run_scoped3A : memref<!tpu.dma_semaphore, #tpu.memory_space<semaphore_mem>>) src(%dma_wait3A_65 : memref<640x16xf32, #tpu.memory_space<vmem_shared>>) dst(%dma_wait3A_63 : memref<640x16xf32, #tpu.memory_space<hbm>>)
      tpu.yield
    }) : () -> ()
    return
  }
}

#map = affine_map<(d0, d1) -> (0, 0)>
#map1 = affine_map<(d0, d1) -> (0)>
module attributes {stable_mosaic.version = 14 : i64} {
  func.func @prop_kernel(%arg0: i32, %arg1: i32, %arg2: memref<10240x128xf32, #tpu.memory_space<hbm>>, %arg3: memref<10240x128xf32, #tpu.memory_space<hbm>>, %arg4: memref<10240x128xf32, #tpu.memory_space<hbm>>, %arg5: memref<320000xi32, #tpu.memory_space<hbm>>, %arg6: memref<320000xi32, #tpu.memory_space<hbm>>, %arg7: memref<320000xi32, #tpu.memory_space<hbm>>, %arg8: memref<320000xi32, #tpu.memory_space<hbm>>, %arg9: memref<10240x128xf32, #tpu.memory_space<hbm>>, %arg10: memref<10240x128xf32, #tpu.memory_space<hbm>>, %arg11: memref<20480x128xf32, #tpu.memory_space<hbm>>, %arg12: memref<10240x128xf32, #tpu.memory_space<vmem_shared>>, %arg13: memref<128x128xf32, #tpu.memory_space<vmem>>, %arg14: memref<80x128xf32, #tpu.memory_space<vmem>>, %arg15: memref<80xi32, #tpu.memory_space<vmem>>, %arg16: memref<80xi32, #tpu.memory_space<vmem>>, %arg17: memref<!tpu.dma_semaphore, #tpu.memory_space<semaphore_mem>>) attributes {dimension_semantics = [#tpu.dimension_semantics<core_parallel>, #tpu.dimension_semantics<subcore_parallel>], iteration_bounds = array<i64: 2, 16>, scalar_prefetch = 0 : i64, scratch_operands = 6 : i64, tpu.core_type = #tpu.core_type<sc_vector_subcore>, window_params = [{transform_indices = #map}, {transform_indices = #map}, {transform_indices = #map}, {transform_indices = #map1}, {transform_indices = #map1}, {transform_indices = #map1}, {transform_indices = #map1}, {transform_indices = #map}, {transform_indices = #map}, {transform_indices = #map}]} {
    %broadcast_in_dim3A = arith.constant 0.000000e+00 : f32
    %broadcast_in_dim3A_0 = vector.broadcast %broadcast_in_dim3A : f32 to vector<16xf32>
    %scan3A = arith.constant 0 : i32
    %scan3A_1 = arith.constant 0 : i32
    %scan3A_2 = arith.constant 128 : i32
    %scan3A_3 = arith.addi %scan3A_1, %scan3A_2 : i32
    %scan3A_4 = arith.constant 1 : i32
    %scan3A_5 = scf.for %scan3A_63 = %scan3A_1 to %scan3A_3 step %scan3A_4 iter_args(%scan3A_64 = %scan3A) -> (i32)  : i32 {
      %swap3A = arith.index_cast %scan3A_63 : i32 to index
      %swap3A_65 = arith.constant 0 : index
      %swap3A_66 = tpu.vector_load %arg13[%swap3A, %swap3A_65] {strides = array<i32>} : memref<128x128xf32, #tpu.memory_space<vmem>>, vector<1x16xf32>,
      %swap3A_67 = vector.shape_cast %swap3A_66 : vector<1x16xf32> to vector<16xf32>
      %swap3A_68 = vector.shape_cast %broadcast_in_dim3A_0 : vector<16xf32> to vector<1x16xf32>
      tpu.vector_store %arg13[%swap3A, %swap3A_65], %swap3A_68 {strides = array<i32>} : memref<128x128xf32, #tpu.memory_space<vmem>>, vector<1x16xf32>,
      %swap3A_69 = arith.index_cast %scan3A_63 : i32 to index
      %swap3A_70 = arith.constant 16 : index
      %swap3A_71 = tpu.vector_load %arg13[%swap3A_69, %swap3A_70] {strides = array<i32>} : memref<128x128xf32, #tpu.memory_space<vmem>>, vector<1x16xf32>,
      %swap3A_72 = vector.shape_cast %swap3A_71 : vector<1x16xf32> to vector<16xf32>
      %swap3A_73 = vector.shape_cast %broadcast_in_dim3A_0 : vector<16xf32> to vector<1x16xf32>
      tpu.vector_store %arg13[%swap3A_69, %swap3A_70], %swap3A_73 {strides = array<i32>} : memref<128x128xf32, #tpu.memory_space<vmem>>, vector<1x16xf32>,
      %swap3A_74 = arith.index_cast %scan3A_63 : i32 to index
      %swap3A_75 = arith.constant 32 : index
      %swap3A_76 = tpu.vector_load %arg13[%swap3A_74, %swap3A_75] {strides = array<i32>} : memref<128x128xf32, #tpu.memory_space<vmem>>, vector<1x16xf32>,
      %swap3A_77 = vector.shape_cast %swap3A_76 : vector<1x16xf32> to vector<16xf32>
      %swap3A_78 = vector.shape_cast %broadcast_in_dim3A_0 : vector<16xf32> to vector<1x16xf32>
      tpu.vector_store %arg13[%swap3A_74, %swap3A_75], %swap3A_78 {strides = array<i32>} : memref<128x128xf32, #tpu.memory_space<vmem>>, vector<1x16xf32>,
      %swap3A_79 = arith.index_cast %scan3A_63 : i32 to index
      %swap3A_80 = arith.constant 48 : index
      %swap3A_81 = tpu.vector_load %arg13[%swap3A_79, %swap3A_80] {strides = array<i32>} : memref<128x128xf32, #tpu.memory_space<vmem>>, vector<1x16xf32>,
      %swap3A_82 = vector.shape_cast %swap3A_81 : vector<1x16xf32> to vector<16xf32>
      %swap3A_83 = vector.shape_cast %broadcast_in_dim3A_0 : vector<16xf32> to vector<1x16xf32>
      tpu.vector_store %arg13[%swap3A_79, %swap3A_80], %swap3A_83 {strides = array<i32>} : memref<128x128xf32, #tpu.memory_space<vmem>>, vector<1x16xf32>,
      %swap3A_84 = arith.index_cast %scan3A_63 : i32 to index
      %swap3A_85 = arith.constant 64 : index
      %swap3A_86 = tpu.vector_load %arg13[%swap3A_84, %swap3A_85] {strides = array<i32>} : memref<128x128xf32, #tpu.memory_space<vmem>>, vector<1x16xf32>,
      %swap3A_87 = vector.shape_cast %swap3A_86 : vector<1x16xf32> to vector<16xf32>
      %swap3A_88 = vector.shape_cast %broadcast_in_dim3A_0 : vector<16xf32> to vector<1x16xf32>
      tpu.vector_store %arg13[%swap3A_84, %swap3A_85], %swap3A_88 {strides = array<i32>} : memref<128x128xf32, #tpu.memory_space<vmem>>, vector<1x16xf32>,
      %swap3A_89 = arith.index_cast %scan3A_63 : i32 to index
      %swap3A_90 = arith.constant 80 : index
      %swap3A_91 = tpu.vector_load %arg13[%swap3A_89, %swap3A_90] {strides = array<i32>} : memref<128x128xf32, #tpu.memory_space<vmem>>, vector<1x16xf32>,
      %swap3A_92 = vector.shape_cast %swap3A_91 : vector<1x16xf32> to vector<16xf32>
      %swap3A_93 = vector.shape_cast %broadcast_in_dim3A_0 : vector<16xf32> to vector<1x16xf32>
      tpu.vector_store %arg13[%swap3A_89, %swap3A_90], %swap3A_93 {strides = array<i32>} : memref<128x128xf32, #tpu.memory_space<vmem>>, vector<1x16xf32>,
      %swap3A_94 = arith.index_cast %scan3A_63 : i32 to index
      %swap3A_95 = arith.constant 96 : index
      %swap3A_96 = tpu.vector_load %arg13[%swap3A_94, %swap3A_95] {strides = array<i32>} : memref<128x128xf32, #tpu.memory_space<vmem>>, vector<1x16xf32>,
      %swap3A_97 = vector.shape_cast %swap3A_96 : vector<1x16xf32> to vector<16xf32>
      %swap3A_98 = vector.shape_cast %broadcast_in_dim3A_0 : vector<16xf32> to vector<1x16xf32>
      tpu.vector_store %arg13[%swap3A_94, %swap3A_95], %swap3A_98 {strides = array<i32>} : memref<128x128xf32, #tpu.memory_space<vmem>>, vector<1x16xf32>,
      %swap3A_99 = arith.index_cast %scan3A_63 : i32 to index
      %swap3A_100 = arith.constant 112 : index
      %swap3A_101 = tpu.vector_load %arg13[%swap3A_99, %swap3A_100] {strides = array<i32>} : memref<128x128xf32, #tpu.memory_space<vmem>>, vector<1x16xf32>,
      %swap3A_102 = vector.shape_cast %swap3A_101 : vector<1x16xf32> to vector<16xf32>
      %swap3A_103 = vector.shape_cast %broadcast_in_dim3A_0 : vector<16xf32> to vector<1x16xf32>
      tpu.vector_store %arg13[%swap3A_99, %swap3A_100], %swap3A_103 {strides = array<i32>} : memref<128x128xf32, #tpu.memory_space<vmem>>, vector<1x16xf32>,
      %scan3A_104 = arith.constant 0 : i32
      scf.yield %scan3A_104 : i32
    }
    %scan3A_6 = arith.constant 128 : i32
    %mul3A = arith.constant 640 : i32
    %mul3A_7 = arith.muli %arg1, %mul3A : i32
    %add3A = arith.constant 0 : i32
    %add3A_8 = arith.addi %mul3A_7, %add3A : i32
    "tpu.region"() ({
      %run_scoped3A = tpu.sem_alloc : memref<!tpu.dma_semaphore, #tpu.memory_space<semaphore_mem>>
      %dma_start3A = arith.constant 0 : i32
      %dma_start3A_63 = tpu.memref_slice %arg12[%add3A_8, %dma_start3A] : memref<10240x128xf32, #tpu.memory_space<vmem_shared>> -> memref<128x128xf32, #tpu.memory_space<vmem_shared>>
      %dma_start3A_64 = arith.constant 0 : i32
      %dma_start3A_65 = tpu.memref_slice %arg12[%add3A_8, %dma_start3A_64] : memref<10240x128xf32, #tpu.memory_space<vmem_shared>> -> memref<128x128xf32, #tpu.memory_space<vmem_shared>>
      tpu.enqueue_dma source(%arg13 : memref<128x128xf32, #tpu.memory_space<vmem>>) target(%dma_start3A_65 : memref<128x128xf32, #tpu.memory_space<vmem_shared>>) target_semaphore(%run_scoped3A : memref<!tpu.dma_semaphore, #tpu.memory_space<semaphore_mem>>)
      %dma_wait3A = arith.constant 0 : i32
      %dma_wait3A_66 = tpu.memref_slice %arg12[%add3A_8, %dma_wait3A] : memref<10240x128xf32, #tpu.memory_space<vmem_shared>> -> memref<128x128xf32, #tpu.memory_space<vmem_shared>>
      %dma_wait3A_67 = arith.constant 0 : i32
      %dma_wait3A_68 = tpu.memref_slice %arg12[%add3A_8, %dma_wait3A_67] : memref<10240x128xf32, #tpu.memory_space<vmem_shared>> -> memref<128x128xf32, #tpu.memory_space<vmem_shared>>
      tpu.wait_dma2 semaphore(%run_scoped3A : memref<!tpu.dma_semaphore, #tpu.memory_space<semaphore_mem>>) src(%arg13 : memref<128x128xf32, #tpu.memory_space<vmem>>) dst(%dma_wait3A_68 : memref<128x128xf32, #tpu.memory_space<vmem_shared>>)
      tpu.yield
    }) : () -> ()
    %add3A_9 = arith.constant 128 : i32
    %add3A_10 = arith.addi %mul3A_7, %add3A_9 : i32
    "tpu.region"() ({
      %run_scoped3A = tpu.sem_alloc : memref<!tpu.dma_semaphore, #tpu.memory_space<semaphore_mem>>
      %dma_start3A = arith.constant 0 : i32
      %dma_start3A_63 = tpu.memref_slice %arg12[%add3A_10, %dma_start3A] : memref<10240x128xf32, #tpu.memory_space<vmem_shared>> -> memref<128x128xf32, #tpu.memory_space<vmem_shared>>
      %dma_start3A_64 = arith.constant 0 : i32
      %dma_start3A_65 = tpu.memref_slice %arg12[%add3A_10, %dma_start3A_64] : memref<10240x128xf32, #tpu.memory_space<vmem_shared>> -> memref<128x128xf32, #tpu.memory_space<vmem_shared>>
      tpu.enqueue_dma source(%arg13 : memref<128x128xf32, #tpu.memory_space<vmem>>) target(%dma_start3A_65 : memref<128x128xf32, #tpu.memory_space<vmem_shared>>) target_semaphore(%run_scoped3A : memref<!tpu.dma_semaphore, #tpu.memory_space<semaphore_mem>>)
      %dma_wait3A = arith.constant 0 : i32
      %dma_wait3A_66 = tpu.memref_slice %arg12[%add3A_10, %dma_wait3A] : memref<10240x128xf32, #tpu.memory_space<vmem_shared>> -> memref<128x128xf32, #tpu.memory_space<vmem_shared>>
      %dma_wait3A_67 = arith.constant 0 : i32
      %dma_wait3A_68 = tpu.memref_slice %arg12[%add3A_10, %dma_wait3A_67] : memref<10240x128xf32, #tpu.memory_space<vmem_shared>> -> memref<128x128xf32, #tpu.memory_space<vmem_shared>>
      tpu.wait_dma2 semaphore(%run_scoped3A : memref<!tpu.dma_semaphore, #tpu.memory_space<semaphore_mem>>) src(%arg13 : memref<128x128xf32, #tpu.memory_space<vmem>>) dst(%dma_wait3A_68 : memref<128x128xf32, #tpu.memory_space<vmem_shared>>)
      tpu.yield
    }) : () -> ()
    %add3A_11 = arith.constant 256 : i32
    %add3A_12 = arith.addi %mul3A_7, %add3A_11 : i32
    "tpu.region"() ({
      %run_scoped3A = tpu.sem_alloc : memref<!tpu.dma_semaphore, #tpu.memory_space<semaphore_mem>>
      %dma_start3A = arith.constant 0 : i32
      %dma_start3A_63 = tpu.memref_slice %arg12[%add3A_12, %dma_start3A] : memref<10240x128xf32, #tpu.memory_space<vmem_shared>> -> memref<128x128xf32, #tpu.memory_space<vmem_shared>>
      %dma_start3A_64 = arith.constant 0 : i32
      %dma_start3A_65 = tpu.memref_slice %arg12[%add3A_12, %dma_start3A_64] : memref<10240x128xf32, #tpu.memory_space<vmem_shared>> -> memref<128x128xf32, #tpu.memory_space<vmem_shared>>
      tpu.enqueue_dma source(%arg13 : memref<128x128xf32, #tpu.memory_space<vmem>>) target(%dma_start3A_65 : memref<128x128xf32, #tpu.memory_space<vmem_shared>>) target_semaphore(%run_scoped3A : memref<!tpu.dma_semaphore, #tpu.memory_space<semaphore_mem>>)
      %dma_wait3A = arith.constant 0 : i32
      %dma_wait3A_66 = tpu.memref_slice %arg12[%add3A_12, %dma_wait3A] : memref<10240x128xf32, #tpu.memory_space<vmem_shared>> -> memref<128x128xf32, #tpu.memory_space<vmem_shared>>
      %dma_wait3A_67 = arith.constant 0 : i32
      %dma_wait3A_68 = tpu.memref_slice %arg12[%add3A_12, %dma_wait3A_67] : memref<10240x128xf32, #tpu.memory_space<vmem_shared>> -> memref<128x128xf32, #tpu.memory_space<vmem_shared>>
      tpu.wait_dma2 semaphore(%run_scoped3A : memref<!tpu.dma_semaphore, #tpu.memory_space<semaphore_mem>>) src(%arg13 : memref<128x128xf32, #tpu.memory_space<vmem>>) dst(%dma_wait3A_68 : memref<128x128xf32, #tpu.memory_space<vmem_shared>>)
      tpu.yield
    }) : () -> ()
    %add3A_13 = arith.constant 384 : i32
    %add3A_14 = arith.addi %mul3A_7, %add3A_13 : i32
    "tpu.region"() ({
      %run_scoped3A = tpu.sem_alloc : memref<!tpu.dma_semaphore, #tpu.memory_space<semaphore_mem>>
      %dma_start3A = arith.constant 0 : i32
      %dma_start3A_63 = tpu.memref_slice %arg12[%add3A_14, %dma_start3A] : memref<10240x128xf32, #tpu.memory_space<vmem_shared>> -> memref<128x128xf32, #tpu.memory_space<vmem_shared>>
      %dma_start3A_64 = arith.constant 0 : i32
      %dma_start3A_65 = tpu.memref_slice %arg12[%add3A_14, %dma_start3A_64] : memref<10240x128xf32, #tpu.memory_space<vmem_shared>> -> memref<128x128xf32, #tpu.memory_space<vmem_shared>>
      tpu.enqueue_dma source(%arg13 : memref<128x128xf32, #tpu.memory_space<vmem>>) target(%dma_start3A_65 : memref<128x128xf32, #tpu.memory_space<vmem_shared>>) target_semaphore(%run_scoped3A : memref<!tpu.dma_semaphore, #tpu.memory_space<semaphore_mem>>)
      %dma_wait3A = arith.constant 0 : i32
      %dma_wait3A_66 = tpu.memref_slice %arg12[%add3A_14, %dma_wait3A] : memref<10240x128xf32, #tpu.memory_space<vmem_shared>> -> memref<128x128xf32, #tpu.memory_space<vmem_shared>>
      %dma_wait3A_67 = arith.constant 0 : i32
      %dma_wait3A_68 = tpu.memref_slice %arg12[%add3A_14, %dma_wait3A_67] : memref<10240x128xf32, #tpu.memory_space<vmem_shared>> -> memref<128x128xf32, #tpu.memory_space<vmem_shared>>
      tpu.wait_dma2 semaphore(%run_scoped3A : memref<!tpu.dma_semaphore, #tpu.memory_space<semaphore_mem>>) src(%arg13 : memref<128x128xf32, #tpu.memory_space<vmem>>) dst(%dma_wait3A_68 : memref<128x128xf32, #tpu.memory_space<vmem_shared>>)
      tpu.yield
    }) : () -> ()
    %add3A_15 = arith.constant 512 : i32
    %add3A_16 = arith.addi %mul3A_7, %add3A_15 : i32
    "tpu.region"() ({
      %run_scoped3A = tpu.sem_alloc : memref<!tpu.dma_semaphore, #tpu.memory_space<semaphore_mem>>
      %dma_start3A = arith.constant 0 : i32
      %dma_start3A_63 = tpu.memref_slice %arg12[%add3A_16, %dma_start3A] : memref<10240x128xf32, #tpu.memory_space<vmem_shared>> -> memref<128x128xf32, #tpu.memory_space<vmem_shared>>
      %dma_start3A_64 = arith.constant 0 : i32
      %dma_start3A_65 = tpu.memref_slice %arg12[%add3A_16, %dma_start3A_64] : memref<10240x128xf32, #tpu.memory_space<vmem_shared>> -> memref<128x128xf32, #tpu.memory_space<vmem_shared>>
      tpu.enqueue_dma source(%arg13 : memref<128x128xf32, #tpu.memory_space<vmem>>) target(%dma_start3A_65 : memref<128x128xf32, #tpu.memory_space<vmem_shared>>) target_semaphore(%run_scoped3A : memref<!tpu.dma_semaphore, #tpu.memory_space<semaphore_mem>>)
      %dma_wait3A = arith.constant 0 : i32
      %dma_wait3A_66 = tpu.memref_slice %arg12[%add3A_16, %dma_wait3A] : memref<10240x128xf32, #tpu.memory_space<vmem_shared>> -> memref<128x128xf32, #tpu.memory_space<vmem_shared>>
      %dma_wait3A_67 = arith.constant 0 : i32
      %dma_wait3A_68 = tpu.memref_slice %arg12[%add3A_16, %dma_wait3A_67] : memref<10240x128xf32, #tpu.memory_space<vmem_shared>> -> memref<128x128xf32, #tpu.memory_space<vmem_shared>>
      tpu.wait_dma2 semaphore(%run_scoped3A : memref<!tpu.dma_semaphore, #tpu.memory_space<semaphore_mem>>) src(%arg13 : memref<128x128xf32, #tpu.memory_space<vmem>>) dst(%dma_wait3A_68 : memref<128x128xf32, #tpu.memory_space<vmem_shared>>)
      tpu.yield
    }) : () -> ()
    %barrier3A = arith.constant 0 : index
    tpu.barrier barrier_id(%barrier3A)
    %eq3A = arith.constant 0 : i32
    %eq3A_17 = arith.cmpi eq, %arg0, %eq3A : i32
    %convert_element_type3A = arith.extui %eq3A_17 : i1 to i32
    %cond3A = arith.constant 0 : i32
    %cond3A_18 = arith.cmpi ne, %convert_element_type3A, %cond3A : i32
    scf.if %cond3A_18 {
      %mul3A_63 = arith.constant 20000 : i32
      %mul3A_64 = arith.muli %arg1, %mul3A_63 : i32
      %scan3A_65 = arith.constant 0 : i32
      %scan3A_66 = arith.constant 0 : i32
      %scan3A_67 = arith.constant 250 : i32
      %scan3A_68 = arith.addi %scan3A_66, %scan3A_67 : i32
      %scan3A_69 = arith.constant 1 : i32
      %scan3A_70 = scf.for %scan3A_72 = %scan3A_66 to %scan3A_68 step %scan3A_69 iter_args(%scan3A_73 = %scan3A_65) -> (i32)  : i32 {
        %mul3A_74 = arith.constant 80 : i32
        %mul3A_75 = arith.muli %scan3A_72, %mul3A_74 : i32
        %add3A_76 = arith.addi %mul3A_64, %mul3A_75 : i32
        "tpu.region"() ({
          %run_scoped3A = tpu.sem_alloc : memref<!tpu.dma_semaphore, #tpu.memory_space<semaphore_mem>>
          %dma_start3A_82 = tpu.memref_slice %arg5[%add3A_76] : memref<320000xi32, #tpu.memory_space<hbm>> -> memref<80xi32, #tpu.memory_space<hbm>>
          %dma_start3A_83 = tpu.memref_slice %arg5[%add3A_76] : memref<320000xi32, #tpu.memory_space<hbm>> -> memref<80xi32, #tpu.memory_space<hbm>>
          tpu.enqueue_dma source(%dma_start3A_83 : memref<80xi32, #tpu.memory_space<hbm>>) target(%arg15 : memref<80xi32, #tpu.memory_space<vmem>>) target_semaphore(%run_scoped3A : memref<!tpu.dma_semaphore, #tpu.memory_space<semaphore_mem>>)
          %dma_wait3A_84 = tpu.memref_slice %arg5[%add3A_76] : memref<320000xi32, #tpu.memory_space<hbm>> -> memref<80xi32, #tpu.memory_space<hbm>>
          %dma_wait3A_85 = tpu.memref_slice %arg5[%add3A_76] : memref<320000xi32, #tpu.memory_space<hbm>> -> memref<80xi32, #tpu.memory_space<hbm>>
          tpu.wait_dma2 semaphore(%run_scoped3A : memref<!tpu.dma_semaphore, #tpu.memory_space<semaphore_mem>>) src(%dma_wait3A_85 : memref<80xi32, #tpu.memory_space<hbm>>) dst(%arg15 : memref<80xi32, #tpu.memory_space<vmem>>)
          tpu.yield
        }) : () -> ()
        "tpu.region"() ({
          %run_scoped3A = tpu.sem_alloc : memref<!tpu.dma_semaphore, #tpu.memory_space<semaphore_mem>>
          %dma_start3A_82 = tpu.memref_slice %arg6[%add3A_76] : memref<320000xi32, #tpu.memory_space<hbm>> -> memref<80xi32, #tpu.memory_space<hbm>>
          %dma_start3A_83 = tpu.memref_slice %arg6[%add3A_76] : memref<320000xi32, #tpu.memory_space<hbm>> -> memref<80xi32, #tpu.memory_space<hbm>>
          tpu.enqueue_dma source(%dma_start3A_83 : memref<80xi32, #tpu.memory_space<hbm>>) target(%arg16 : memref<80xi32, #tpu.memory_space<vmem>>) target_semaphore(%run_scoped3A : memref<!tpu.dma_semaphore, #tpu.memory_space<semaphore_mem>>)
          %dma_wait3A_84 = tpu.memref_slice %arg6[%add3A_76] : memref<320000xi32, #tpu.memory_space<hbm>> -> memref<80xi32, #tpu.memory_space<hbm>>
          %dma_wait3A_85 = tpu.memref_slice %arg6[%add3A_76] : memref<320000xi32, #tpu.memory_space<hbm>> -> memref<80xi32, #tpu.memory_space<hbm>>
          tpu.wait_dma2 semaphore(%run_scoped3A : memref<!tpu.dma_semaphore, #tpu.memory_space<semaphore_mem>>) src(%dma_wait3A_85 : memref<80xi32, #tpu.memory_space<hbm>>) dst(%arg16 : memref<80xi32, #tpu.memory_space<vmem>>)
          tpu.yield
        }) : () -> ()
        %dma_start3A = arith.constant 0 : i32
        %dma_start3A_77 = arith.constant 0 : i32
        %dma_start3A_78 = tpu.memref_slice %arg2[%dma_start3A, %dma_start3A_77] : memref<10240x128xf32, #tpu.memory_space<hbm>> -> memref<10240x128xf32, #tpu.memory_space<hbm>>
        tpu.enqueue_indirect_dma source(%dma_start3A_78 : memref<10240x128xf32, #tpu.memory_space<hbm>>) target(%arg14 : memref<80x128xf32, #tpu.memory_space<vmem>>) offsets(%arg15 : memref<80xi32, #tpu.memory_space<vmem>>) semaphore(%arg17 : memref<!tpu.dma_semaphore, #tpu.memory_space<semaphore_mem>>)
        %dma_wait3A = arith.constant 0 : i32
        %dma_wait3A_79 = arith.constant 0 : i32
        %dma_wait3A_80 = tpu.memref_slice %arg2[%dma_wait3A, %dma_wait3A_79] : memref<10240x128xf32, #tpu.memory_space<hbm>> -> memref<10240x128xf32, #tpu.memory_space<hbm>>
        tpu.wait_indirect_dma semaphore(%arg17 : memref<!tpu.dma_semaphore, #tpu.memory_space<semaphore_mem>>) src(%dma_wait3A_80 : memref<10240x128xf32, #tpu.memory_space<hbm>>) dst(%arg14 : memref<80x128xf32, #tpu.memory_space<vmem>>)
        "tpu.region"() ({
          %run_scoped3A = tpu.sem_alloc : memref<!tpu.dma_semaphore, #tpu.memory_space<semaphore_mem>>
          %dma_start3A_82 = arith.constant 0 : i32
          %dma_start3A_83 = arith.constant 0 : i32
          %dma_start3A_84 = tpu.memref_slice %arg12[%dma_start3A_82, %dma_start3A_83] : memref<10240x128xf32, #tpu.memory_space<vmem_shared>> -> memref<10240x128xf32, #tpu.memory_space<vmem_shared>>
          tpu.enqueue_indirect_dma source(%arg14 : memref<80x128xf32, #tpu.memory_space<vmem>>) target(%dma_start3A_84 : memref<10240x128xf32, #tpu.memory_space<vmem_shared>>) offsets(%arg16 : memref<80xi32, #tpu.memory_space<vmem>>) semaphore(%run_scoped3A : memref<!tpu.dma_semaphore, #tpu.memory_space<semaphore_mem>>) {add = true}
          %dma_wait3A_85 = arith.constant 0 : i32
          %dma_wait3A_86 = arith.constant 0 : i32
          %dma_wait3A_87 = tpu.memref_slice %arg12[%dma_wait3A_85, %dma_wait3A_86] : memref<10240x128xf32, #tpu.memory_space<vmem_shared>> -> memref<10240x128xf32, #tpu.memory_space<vmem_shared>>
          tpu.wait_indirect_dma semaphore(%run_scoped3A : memref<!tpu.dma_semaphore, #tpu.memory_space<semaphore_mem>>) src(%arg14 : memref<80x128xf32, #tpu.memory_space<vmem>>) dst(%dma_wait3A_87 : memref<10240x128xf32, #tpu.memory_space<vmem_shared>>)
          tpu.yield
        }) : () -> ()
        %scan3A_81 = arith.constant 0 : i32
        scf.yield %scan3A_81 : i32
      }
      %scan3A_71 = arith.constant 250 : i32
    } else {
    }
    %eq3A_19 = arith.constant 1 : i32
    %eq3A_20 = arith.cmpi eq, %arg0, %eq3A_19 : i32
    %convert_element_type3A_21 = arith.extui %eq3A_20 : i1 to i32
    %cond3A_22 = arith.constant 0 : i32
    %cond3A_23 = arith.cmpi ne, %convert_element_type3A_21, %cond3A_22 : i32
    scf.if %cond3A_23 {
      %mul3A_63 = arith.constant 20000 : i32
      %mul3A_64 = arith.muli %arg1, %mul3A_63 : i32
      %scan3A_65 = arith.constant 0 : i32
      %scan3A_66 = arith.constant 0 : i32
      %scan3A_67 = arith.constant 250 : i32
      %scan3A_68 = arith.addi %scan3A_66, %scan3A_67 : i32
      %scan3A_69 = arith.constant 1 : i32
      %scan3A_70 = scf.for %scan3A_72 = %scan3A_66 to %scan3A_68 step %scan3A_69 iter_args(%scan3A_73 = %scan3A_65) -> (i32)  : i32 {
        %mul3A_74 = arith.constant 80 : i32
        %mul3A_75 = arith.muli %scan3A_72, %mul3A_74 : i32
        %add3A_76 = arith.addi %mul3A_64, %mul3A_75 : i32
        "tpu.region"() ({
          %run_scoped3A = tpu.sem_alloc : memref<!tpu.dma_semaphore, #tpu.memory_space<semaphore_mem>>
          %dma_start3A_82 = tpu.memref_slice %arg7[%add3A_76] : memref<320000xi32, #tpu.memory_space<hbm>> -> memref<80xi32, #tpu.memory_space<hbm>>
          %dma_start3A_83 = tpu.memref_slice %arg7[%add3A_76] : memref<320000xi32, #tpu.memory_space<hbm>> -> memref<80xi32, #tpu.memory_space<hbm>>
          tpu.enqueue_dma source(%dma_start3A_83 : memref<80xi32, #tpu.memory_space<hbm>>) target(%arg15 : memref<80xi32, #tpu.memory_space<vmem>>) target_semaphore(%run_scoped3A : memref<!tpu.dma_semaphore, #tpu.memory_space<semaphore_mem>>)
          %dma_wait3A_84 = tpu.memref_slice %arg7[%add3A_76] : memref<320000xi32, #tpu.memory_space<hbm>> -> memref<80xi32, #tpu.memory_space<hbm>>
          %dma_wait3A_85 = tpu.memref_slice %arg7[%add3A_76] : memref<320000xi32, #tpu.memory_space<hbm>> -> memref<80xi32, #tpu.memory_space<hbm>>
          tpu.wait_dma2 semaphore(%run_scoped3A : memref<!tpu.dma_semaphore, #tpu.memory_space<semaphore_mem>>) src(%dma_wait3A_85 : memref<80xi32, #tpu.memory_space<hbm>>) dst(%arg15 : memref<80xi32, #tpu.memory_space<vmem>>)
          tpu.yield
        }) : () -> ()
        "tpu.region"() ({
          %run_scoped3A = tpu.sem_alloc : memref<!tpu.dma_semaphore, #tpu.memory_space<semaphore_mem>>
          %dma_start3A_82 = tpu.memref_slice %arg8[%add3A_76] : memref<320000xi32, #tpu.memory_space<hbm>> -> memref<80xi32, #tpu.memory_space<hbm>>
          %dma_start3A_83 = tpu.memref_slice %arg8[%add3A_76] : memref<320000xi32, #tpu.memory_space<hbm>> -> memref<80xi32, #tpu.memory_space<hbm>>
          tpu.enqueue_dma source(%dma_start3A_83 : memref<80xi32, #tpu.memory_space<hbm>>) target(%arg16 : memref<80xi32, #tpu.memory_space<vmem>>) target_semaphore(%run_scoped3A : memref<!tpu.dma_semaphore, #tpu.memory_space<semaphore_mem>>)
          %dma_wait3A_84 = tpu.memref_slice %arg8[%add3A_76] : memref<320000xi32, #tpu.memory_space<hbm>> -> memref<80xi32, #tpu.memory_space<hbm>>
          %dma_wait3A_85 = tpu.memref_slice %arg8[%add3A_76] : memref<320000xi32, #tpu.memory_space<hbm>> -> memref<80xi32, #tpu.memory_space<hbm>>
          tpu.wait_dma2 semaphore(%run_scoped3A : memref<!tpu.dma_semaphore, #tpu.memory_space<semaphore_mem>>) src(%dma_wait3A_85 : memref<80xi32, #tpu.memory_space<hbm>>) dst(%arg16 : memref<80xi32, #tpu.memory_space<vmem>>)
          tpu.yield
        }) : () -> ()
        %dma_start3A = arith.constant 0 : i32
        %dma_start3A_77 = arith.constant 0 : i32
        %dma_start3A_78 = tpu.memref_slice %arg3[%dma_start3A, %dma_start3A_77] : memref<10240x128xf32, #tpu.memory_space<hbm>> -> memref<10240x128xf32, #tpu.memory_space<hbm>>
        tpu.enqueue_indirect_dma source(%dma_start3A_78 : memref<10240x128xf32, #tpu.memory_space<hbm>>) target(%arg14 : memref<80x128xf32, #tpu.memory_space<vmem>>) offsets(%arg15 : memref<80xi32, #tpu.memory_space<vmem>>) semaphore(%arg17 : memref<!tpu.dma_semaphore, #tpu.memory_space<semaphore_mem>>)
        %dma_wait3A = arith.constant 0 : i32
        %dma_wait3A_79 = arith.constant 0 : i32
        %dma_wait3A_80 = tpu.memref_slice %arg3[%dma_wait3A, %dma_wait3A_79] : memref<10240x128xf32, #tpu.memory_space<hbm>> -> memref<10240x128xf32, #tpu.memory_space<hbm>>
        tpu.wait_indirect_dma semaphore(%arg17 : memref<!tpu.dma_semaphore, #tpu.memory_space<semaphore_mem>>) src(%dma_wait3A_80 : memref<10240x128xf32, #tpu.memory_space<hbm>>) dst(%arg14 : memref<80x128xf32, #tpu.memory_space<vmem>>)
        "tpu.region"() ({
          %run_scoped3A = tpu.sem_alloc : memref<!tpu.dma_semaphore, #tpu.memory_space<semaphore_mem>>
          %dma_start3A_82 = arith.constant 0 : i32
          %dma_start3A_83 = arith.constant 0 : i32
          %dma_start3A_84 = tpu.memref_slice %arg12[%dma_start3A_82, %dma_start3A_83] : memref<10240x128xf32, #tpu.memory_space<vmem_shared>> -> memref<10240x128xf32, #tpu.memory_space<vmem_shared>>
          tpu.enqueue_indirect_dma source(%arg14 : memref<80x128xf32, #tpu.memory_space<vmem>>) target(%dma_start3A_84 : memref<10240x128xf32, #tpu.memory_space<vmem_shared>>) offsets(%arg16 : memref<80xi32, #tpu.memory_space<vmem>>) semaphore(%run_scoped3A : memref<!tpu.dma_semaphore, #tpu.memory_space<semaphore_mem>>) {add = true}
          %dma_wait3A_85 = arith.constant 0 : i32
          %dma_wait3A_86 = arith.constant 0 : i32
          %dma_wait3A_87 = tpu.memref_slice %arg12[%dma_wait3A_85, %dma_wait3A_86] : memref<10240x128xf32, #tpu.memory_space<vmem_shared>> -> memref<10240x128xf32, #tpu.memory_space<vmem_shared>>
          tpu.wait_indirect_dma semaphore(%run_scoped3A : memref<!tpu.dma_semaphore, #tpu.memory_space<semaphore_mem>>) src(%arg14 : memref<80x128xf32, #tpu.memory_space<vmem>>) dst(%dma_wait3A_87 : memref<10240x128xf32, #tpu.memory_space<vmem_shared>>)
          tpu.yield
        }) : () -> ()
        %scan3A_81 = arith.constant 0 : i32
        scf.yield %scan3A_81 : i32
      }
      %scan3A_71 = arith.constant 250 : i32
    } else {
    }
    %barrier3A_24 = arith.constant 0 : index
    tpu.barrier barrier_id(%barrier3A_24)
    %eq3A_25 = arith.constant 0 : i32
    %eq3A_26 = arith.cmpi eq, %arg0, %eq3A_25 : i32
    %convert_element_type3A_27 = arith.extui %eq3A_26 : i1 to i32
    %cond3A_28 = arith.constant 0 : i32
    %cond3A_29 = arith.cmpi ne, %convert_element_type3A_27, %cond3A_28 : i32
    scf.if %cond3A_29 {
      "tpu.region"() ({
        %run_scoped3A = tpu.sem_alloc : memref<!tpu.dma_semaphore, #tpu.memory_space<semaphore_mem>>
        %dma_start3A = arith.constant 0 : i32
        %dma_start3A_63 = tpu.memref_slice %arg9[%mul3A_7, %dma_start3A] : memref<10240x128xf32, #tpu.memory_space<hbm>> -> memref<640x128xf32, #tpu.memory_space<hbm>>
        %dma_start3A_64 = arith.constant 0 : i32
        %dma_start3A_65 = tpu.memref_slice %arg12[%mul3A_7, %dma_start3A_64] : memref<10240x128xf32, #tpu.memory_space<vmem_shared>> -> memref<640x128xf32, #tpu.memory_space<vmem_shared>>
        tpu.enqueue_dma source(%dma_start3A_65 : memref<640x128xf32, #tpu.memory_space<vmem_shared>>) target(%dma_start3A_63 : memref<640x128xf32, #tpu.memory_space<hbm>>) target_semaphore(%run_scoped3A : memref<!tpu.dma_semaphore, #tpu.memory_space<semaphore_mem>>)
        %dma_wait3A = arith.constant 0 : i32
        %dma_wait3A_66 = tpu.memref_slice %arg9[%mul3A_7, %dma_wait3A] : memref<10240x128xf32, #tpu.memory_space<hbm>> -> memref<640x128xf32, #tpu.memory_space<hbm>>
        %dma_wait3A_67 = arith.constant 0 : i32
        %dma_wait3A_68 = tpu.memref_slice %arg12[%mul3A_7, %dma_wait3A_67] : memref<10240x128xf32, #tpu.memory_space<vmem_shared>> -> memref<640x128xf32, #tpu.memory_space<vmem_shared>>
        tpu.wait_dma2 semaphore(%run_scoped3A : memref<!tpu.dma_semaphore, #tpu.memory_space<semaphore_mem>>) src(%dma_wait3A_68 : memref<640x128xf32, #tpu.memory_space<vmem_shared>>) dst(%dma_wait3A_66 : memref<640x128xf32, #tpu.memory_space<hbm>>)
        tpu.yield
      }) : () -> ()
    } else {
    }
    %eq3A_30 = arith.constant 1 : i32
    %eq3A_31 = arith.cmpi eq, %arg0, %eq3A_30 : i32
    %convert_element_type3A_32 = arith.extui %eq3A_31 : i1 to i32
    %cond3A_33 = arith.constant 0 : i32
    %cond3A_34 = arith.cmpi ne, %convert_element_type3A_32, %cond3A_33 : i32
    scf.if %cond3A_34 {
      "tpu.region"() ({
        %run_scoped3A = tpu.sem_alloc : memref<!tpu.dma_semaphore, #tpu.memory_space<semaphore_mem>>
        %dma_start3A = arith.constant 0 : i32
        %dma_start3A_63 = tpu.memref_slice %arg10[%mul3A_7, %dma_start3A] : memref<10240x128xf32, #tpu.memory_space<hbm>> -> memref<640x128xf32, #tpu.memory_space<hbm>>
        %dma_start3A_64 = arith.constant 0 : i32
        %dma_start3A_65 = tpu.memref_slice %arg12[%mul3A_7, %dma_start3A_64] : memref<10240x128xf32, #tpu.memory_space<vmem_shared>> -> memref<640x128xf32, #tpu.memory_space<vmem_shared>>
        tpu.enqueue_dma source(%dma_start3A_65 : memref<640x128xf32, #tpu.memory_space<vmem_shared>>) target(%dma_start3A_63 : memref<640x128xf32, #tpu.memory_space<hbm>>) target_semaphore(%run_scoped3A : memref<!tpu.dma_semaphore, #tpu.memory_space<semaphore_mem>>)
        %dma_wait3A = arith.constant 0 : i32
        %dma_wait3A_66 = tpu.memref_slice %arg10[%mul3A_7, %dma_wait3A] : memref<10240x128xf32, #tpu.memory_space<hbm>> -> memref<640x128xf32, #tpu.memory_space<hbm>>
        %dma_wait3A_67 = arith.constant 0 : i32
        %dma_wait3A_68 = tpu.memref_slice %arg12[%mul3A_7, %dma_wait3A_67] : memref<10240x128xf32, #tpu.memory_space<vmem_shared>> -> memref<640x128xf32, #tpu.memory_space<vmem_shared>>
        tpu.wait_dma2 semaphore(%run_scoped3A : memref<!tpu.dma_semaphore, #tpu.memory_space<semaphore_mem>>) src(%dma_wait3A_68 : memref<640x128xf32, #tpu.memory_space<vmem_shared>>) dst(%dma_wait3A_66 : memref<640x128xf32, #tpu.memory_space<hbm>>)
        tpu.yield
      }) : () -> ()
    } else {
    }
    %barrier3A_35 = arith.constant 0 : index
    tpu.barrier barrier_id(%barrier3A_35)
    %add3A_36 = arith.constant 0 : i32
    %add3A_37 = arith.addi %mul3A_7, %add3A_36 : i32
    "tpu.region"() ({
      %run_scoped3A = tpu.sem_alloc : memref<!tpu.dma_semaphore, #tpu.memory_space<semaphore_mem>>
      %dma_start3A = arith.constant 0 : i32
      %dma_start3A_63 = tpu.memref_slice %arg12[%add3A_37, %dma_start3A] : memref<10240x128xf32, #tpu.memory_space<vmem_shared>> -> memref<128x128xf32, #tpu.memory_space<vmem_shared>>
      %dma_start3A_64 = arith.constant 0 : i32
      %dma_start3A_65 = tpu.memref_slice %arg12[%add3A_37, %dma_start3A_64] : memref<10240x128xf32, #tpu.memory_space<vmem_shared>> -> memref<128x128xf32, #tpu.memory_space<vmem_shared>>
      tpu.enqueue_dma source(%arg13 : memref<128x128xf32, #tpu.memory_space<vmem>>) target(%dma_start3A_65 : memref<128x128xf32, #tpu.memory_space<vmem_shared>>) target_semaphore(%run_scoped3A : memref<!tpu.dma_semaphore, #tpu.memory_space<semaphore_mem>>)
      %dma_wait3A = arith.constant 0 : i32
      %dma_wait3A_66 = tpu.memref_slice %arg12[%add3A_37, %dma_wait3A] : memref<10240x128xf32, #tpu.memory_space<vmem_shared>> -> memref<128x128xf32, #tpu.memory_space<vmem_shared>>
      %dma_wait3A_67 = arith.constant 0 : i32
      %dma_wait3A_68 = tpu.memref_slice %arg12[%add3A_37, %dma_wait3A_67] : memref<10240x128xf32, #tpu.memory_space<vmem_shared>> -> memref<128x128xf32, #tpu.memory_space<vmem_shared>>
      tpu.wait_dma2 semaphore(%run_scoped3A : memref<!tpu.dma_semaphore, #tpu.memory_space<semaphore_mem>>) src(%arg13 : memref<128x128xf32, #tpu.memory_space<vmem>>) dst(%dma_wait3A_68 : memref<128x128xf32, #tpu.memory_space<vmem_shared>>)
      tpu.yield
    }) : () -> ()
    %add3A_38 = arith.constant 128 : i32
    %add3A_39 = arith.addi %mul3A_7, %add3A_38 : i32
    "tpu.region"() ({
      %run_scoped3A = tpu.sem_alloc : memref<!tpu.dma_semaphore, #tpu.memory_space<semaphore_mem>>
      %dma_start3A = arith.constant 0 : i32
      %dma_start3A_63 = tpu.memref_slice %arg12[%add3A_39, %dma_start3A] : memref<10240x128xf32, #tpu.memory_space<vmem_shared>> -> memref<128x128xf32, #tpu.memory_space<vmem_shared>>
      %dma_start3A_64 = arith.constant 0 : i32
      %dma_start3A_65 = tpu.memref_slice %arg12[%add3A_39, %dma_start3A_64] : memref<10240x128xf32, #tpu.memory_space<vmem_shared>> -> memref<128x128xf32, #tpu.memory_space<vmem_shared>>
      tpu.enqueue_dma source(%arg13 : memref<128x128xf32, #tpu.memory_space<vmem>>) target(%dma_start3A_65 : memref<128x128xf32, #tpu.memory_space<vmem_shared>>) target_semaphore(%run_scoped3A : memref<!tpu.dma_semaphore, #tpu.memory_space<semaphore_mem>>)
      %dma_wait3A = arith.constant 0 : i32
      %dma_wait3A_66 = tpu.memref_slice %arg12[%add3A_39, %dma_wait3A] : memref<10240x128xf32, #tpu.memory_space<vmem_shared>> -> memref<128x128xf32, #tpu.memory_space<vmem_shared>>
      %dma_wait3A_67 = arith.constant 0 : i32
      %dma_wait3A_68 = tpu.memref_slice %arg12[%add3A_39, %dma_wait3A_67] : memref<10240x128xf32, #tpu.memory_space<vmem_shared>> -> memref<128x128xf32, #tpu.memory_space<vmem_shared>>
      tpu.wait_dma2 semaphore(%run_scoped3A : memref<!tpu.dma_semaphore, #tpu.memory_space<semaphore_mem>>) src(%arg13 : memref<128x128xf32, #tpu.memory_space<vmem>>) dst(%dma_wait3A_68 : memref<128x128xf32, #tpu.memory_space<vmem_shared>>)
      tpu.yield
    }) : () -> ()
    %add3A_40 = arith.constant 256 : i32
    %add3A_41 = arith.addi %mul3A_7, %add3A_40 : i32
    "tpu.region"() ({
      %run_scoped3A = tpu.sem_alloc : memref<!tpu.dma_semaphore, #tpu.memory_space<semaphore_mem>>
      %dma_start3A = arith.constant 0 : i32
      %dma_start3A_63 = tpu.memref_slice %arg12[%add3A_41, %dma_start3A] : memref<10240x128xf32, #tpu.memory_space<vmem_shared>> -> memref<128x128xf32, #tpu.memory_space<vmem_shared>>
      %dma_start3A_64 = arith.constant 0 : i32
      %dma_start3A_65 = tpu.memref_slice %arg12[%add3A_41, %dma_start3A_64] : memref<10240x128xf32, #tpu.memory_space<vmem_shared>> -> memref<128x128xf32, #tpu.memory_space<vmem_shared>>
      tpu.enqueue_dma source(%arg13 : memref<128x128xf32, #tpu.memory_space<vmem>>) target(%dma_start3A_65 : memref<128x128xf32, #tpu.memory_space<vmem_shared>>) target_semaphore(%run_scoped3A : memref<!tpu.dma_semaphore, #tpu.memory_space<semaphore_mem>>)
      %dma_wait3A = arith.constant 0 : i32
      %dma_wait3A_66 = tpu.memref_slice %arg12[%add3A_41, %dma_wait3A] : memref<10240x128xf32, #tpu.memory_space<vmem_shared>> -> memref<128x128xf32, #tpu.memory_space<vmem_shared>>
      %dma_wait3A_67 = arith.constant 0 : i32
      %dma_wait3A_68 = tpu.memref_slice %arg12[%add3A_41, %dma_wait3A_67] : memref<10240x128xf32, #tpu.memory_space<vmem_shared>> -> memref<128x128xf32, #tpu.memory_space<vmem_shared>>
      tpu.wait_dma2 semaphore(%run_scoped3A : memref<!tpu.dma_semaphore, #tpu.memory_space<semaphore_mem>>) src(%arg13 : memref<128x128xf32, #tpu.memory_space<vmem>>) dst(%dma_wait3A_68 : memref<128x128xf32, #tpu.memory_space<vmem_shared>>)
      tpu.yield
    }) : () -> ()
    %add3A_42 = arith.constant 384 : i32
    %add3A_43 = arith.addi %mul3A_7, %add3A_42 : i32
    "tpu.region"() ({
      %run_scoped3A = tpu.sem_alloc : memref<!tpu.dma_semaphore, #tpu.memory_space<semaphore_mem>>
      %dma_start3A = arith.constant 0 : i32
      %dma_start3A_63 = tpu.memref_slice %arg12[%add3A_43, %dma_start3A] : memref<10240x128xf32, #tpu.memory_space<vmem_shared>> -> memref<128x128xf32, #tpu.memory_space<vmem_shared>>
      %dma_start3A_64 = arith.constant 0 : i32
      %dma_start3A_65 = tpu.memref_slice %arg12[%add3A_43, %dma_start3A_64] : memref<10240x128xf32, #tpu.memory_space<vmem_shared>> -> memref<128x128xf32, #tpu.memory_space<vmem_shared>>
      tpu.enqueue_dma source(%arg13 : memref<128x128xf32, #tpu.memory_space<vmem>>) target(%dma_start3A_65 : memref<128x128xf32, #tpu.memory_space<vmem_shared>>) target_semaphore(%run_scoped3A : memref<!tpu.dma_semaphore, #tpu.memory_space<semaphore_mem>>)
      %dma_wait3A = arith.constant 0 : i32
      %dma_wait3A_66 = tpu.memref_slice %arg12[%add3A_43, %dma_wait3A] : memref<10240x128xf32, #tpu.memory_space<vmem_shared>> -> memref<128x128xf32, #tpu.memory_space<vmem_shared>>
      %dma_wait3A_67 = arith.constant 0 : i32
      %dma_wait3A_68 = tpu.memref_slice %arg12[%add3A_43, %dma_wait3A_67] : memref<10240x128xf32, #tpu.memory_space<vmem_shared>> -> memref<128x128xf32, #tpu.memory_space<vmem_shared>>
      tpu.wait_dma2 semaphore(%run_scoped3A : memref<!tpu.dma_semaphore, #tpu.memory_space<semaphore_mem>>) src(%arg13 : memref<128x128xf32, #tpu.memory_space<vmem>>) dst(%dma_wait3A_68 : memref<128x128xf32, #tpu.memory_space<vmem_shared>>)
      tpu.yield
    }) : () -> ()
    %add3A_44 = arith.constant 512 : i32
    %add3A_45 = arith.addi %mul3A_7, %add3A_44 : i32
    "tpu.region"() ({
      %run_scoped3A = tpu.sem_alloc : memref<!tpu.dma_semaphore, #tpu.memory_space<semaphore_mem>>
      %dma_start3A = arith.constant 0 : i32
      %dma_start3A_63 = tpu.memref_slice %arg12[%add3A_45, %dma_start3A] : memref<10240x128xf32, #tpu.memory_space<vmem_shared>> -> memref<128x128xf32, #tpu.memory_space<vmem_shared>>
      %dma_start3A_64 = arith.constant 0 : i32
      %dma_start3A_65 = tpu.memref_slice %arg12[%add3A_45, %dma_start3A_64] : memref<10240x128xf32, #tpu.memory_space<vmem_shared>> -> memref<128x128xf32, #tpu.memory_space<vmem_shared>>
      tpu.enqueue_dma source(%arg13 : memref<128x128xf32, #tpu.memory_space<vmem>>) target(%dma_start3A_65 : memref<128x128xf32, #tpu.memory_space<vmem_shared>>) target_semaphore(%run_scoped3A : memref<!tpu.dma_semaphore, #tpu.memory_space<semaphore_mem>>)
      %dma_wait3A = arith.constant 0 : i32
      %dma_wait3A_66 = tpu.memref_slice %arg12[%add3A_45, %dma_wait3A] : memref<10240x128xf32, #tpu.memory_space<vmem_shared>> -> memref<128x128xf32, #tpu.memory_space<vmem_shared>>
      %dma_wait3A_67 = arith.constant 0 : i32
      %dma_wait3A_68 = tpu.memref_slice %arg12[%add3A_45, %dma_wait3A_67] : memref<10240x128xf32, #tpu.memory_space<vmem_shared>> -> memref<128x128xf32, #tpu.memory_space<vmem_shared>>
      tpu.wait_dma2 semaphore(%run_scoped3A : memref<!tpu.dma_semaphore, #tpu.memory_space<semaphore_mem>>) src(%arg13 : memref<128x128xf32, #tpu.memory_space<vmem>>) dst(%dma_wait3A_68 : memref<128x128xf32, #tpu.memory_space<vmem_shared>>)
      tpu.yield
    }) : () -> ()
    %barrier3A_46 = arith.constant 0 : index
    tpu.barrier barrier_id(%barrier3A_46)
    %mul3A_47 = arith.constant 160000 : i32
    %mul3A_48 = arith.muli %arg0, %mul3A_47 : i32
    %mul3A_49 = arith.constant 10000 : i32
    %mul3A_50 = arith.muli %arg1, %mul3A_49 : i32
    %add3A_51 = arith.addi %mul3A_48, %mul3A_50 : i32
    %scan3A_52 = arith.constant 0 : i32
    %scan3A_53 = arith.constant 0 : i32
    %scan3A_54 = arith.constant 125 : i32
    %scan3A_55 = arith.addi %scan3A_53, %scan3A_54 : i32
    %scan3A_56 = arith.constant 1 : i32
    %scan3A_57 = scf.for %scan3A_63 = %scan3A_53 to %scan3A_55 step %scan3A_56 iter_args(%scan3A_64 = %scan3A_52) -> (i32)  : i32 {
      %mul3A_65 = arith.constant 80 : i32
      %mul3A_66 = arith.muli %scan3A_63, %mul3A_65 : i32
      %add3A_67 = arith.addi %add3A_51, %mul3A_66 : i32
      "tpu.region"() ({
        %run_scoped3A = tpu.sem_alloc : memref<!tpu.dma_semaphore, #tpu.memory_space<semaphore_mem>>
        %dma_start3A_73 = tpu.memref_slice %arg5[%add3A_67] : memref<320000xi32, #tpu.memory_space<hbm>> -> memref<80xi32, #tpu.memory_space<hbm>>
        %dma_start3A_74 = tpu.memref_slice %arg5[%add3A_67] : memref<320000xi32, #tpu.memory_space<hbm>> -> memref<80xi32, #tpu.memory_space<hbm>>
        tpu.enqueue_dma source(%dma_start3A_74 : memref<80xi32, #tpu.memory_space<hbm>>) target(%arg15 : memref<80xi32, #tpu.memory_space<vmem>>) target_semaphore(%run_scoped3A : memref<!tpu.dma_semaphore, #tpu.memory_space<semaphore_mem>>)
        %dma_wait3A_75 = tpu.memref_slice %arg5[%add3A_67] : memref<320000xi32, #tpu.memory_space<hbm>> -> memref<80xi32, #tpu.memory_space<hbm>>
        %dma_wait3A_76 = tpu.memref_slice %arg5[%add3A_67] : memref<320000xi32, #tpu.memory_space<hbm>> -> memref<80xi32, #tpu.memory_space<hbm>>
        tpu.wait_dma2 semaphore(%run_scoped3A : memref<!tpu.dma_semaphore, #tpu.memory_space<semaphore_mem>>) src(%dma_wait3A_76 : memref<80xi32, #tpu.memory_space<hbm>>) dst(%arg15 : memref<80xi32, #tpu.memory_space<vmem>>)
        tpu.yield
      }) : () -> ()
      "tpu.region"() ({
        %run_scoped3A = tpu.sem_alloc : memref<!tpu.dma_semaphore, #tpu.memory_space<semaphore_mem>>
        %dma_start3A_73 = tpu.memref_slice %arg6[%add3A_67] : memref<320000xi32, #tpu.memory_space<hbm>> -> memref<80xi32, #tpu.memory_space<hbm>>
        %dma_start3A_74 = tpu.memref_slice %arg6[%add3A_67] : memref<320000xi32, #tpu.memory_space<hbm>> -> memref<80xi32, #tpu.memory_space<hbm>>
        tpu.enqueue_dma source(%dma_start3A_74 : memref<80xi32, #tpu.memory_space<hbm>>) target(%arg16 : memref<80xi32, #tpu.memory_space<vmem>>) target_semaphore(%run_scoped3A : memref<!tpu.dma_semaphore, #tpu.memory_space<semaphore_mem>>)
        %dma_wait3A_75 = tpu.memref_slice %arg6[%add3A_67] : memref<320000xi32, #tpu.memory_space<hbm>> -> memref<80xi32, #tpu.memory_space<hbm>>
        %dma_wait3A_76 = tpu.memref_slice %arg6[%add3A_67] : memref<320000xi32, #tpu.memory_space<hbm>> -> memref<80xi32, #tpu.memory_space<hbm>>
        tpu.wait_dma2 semaphore(%run_scoped3A : memref<!tpu.dma_semaphore, #tpu.memory_space<semaphore_mem>>) src(%dma_wait3A_76 : memref<80xi32, #tpu.memory_space<hbm>>) dst(%arg16 : memref<80xi32, #tpu.memory_space<vmem>>)
        tpu.yield
      }) : () -> ()
      %dma_start3A = arith.constant 0 : i32
      %dma_start3A_68 = arith.constant 0 : i32
      %dma_start3A_69 = tpu.memref_slice %arg4[%dma_start3A, %dma_start3A_68] : memref<10240x128xf32, #tpu.memory_space<hbm>> -> memref<10240x128xf32, #tpu.memory_space<hbm>>
      tpu.enqueue_indirect_dma source(%dma_start3A_69 : memref<10240x128xf32, #tpu.memory_space<hbm>>) target(%arg14 : memref<80x128xf32, #tpu.memory_space<vmem>>) offsets(%arg15 : memref<80xi32, #tpu.memory_space<vmem>>) semaphore(%arg17 : memref<!tpu.dma_semaphore, #tpu.memory_space<semaphore_mem>>)
      %dma_wait3A = arith.constant 0 : i32
      %dma_wait3A_70 = arith.constant 0 : i32
      %dma_wait3A_71 = tpu.memref_slice %arg4[%dma_wait3A, %dma_wait3A_70] : memref<10240x128xf32, #tpu.memory_space<hbm>> -> memref<10240x128xf32, #tpu.memory_space<hbm>>
      tpu.wait_indirect_dma semaphore(%arg17 : memref<!tpu.dma_semaphore, #tpu.memory_space<semaphore_mem>>) src(%dma_wait3A_71 : memref<10240x128xf32, #tpu.memory_space<hbm>>) dst(%arg14 : memref<80x128xf32, #tpu.memory_space<vmem>>)
      "tpu.region"() ({
        %run_scoped3A = tpu.sem_alloc : memref<!tpu.dma_semaphore, #tpu.memory_space<semaphore_mem>>
        %dma_start3A_73 = arith.constant 0 : i32
        %dma_start3A_74 = arith.constant 0 : i32
        %dma_start3A_75 = tpu.memref_slice %arg12[%dma_start3A_73, %dma_start3A_74] : memref<10240x128xf32, #tpu.memory_space<vmem_shared>> -> memref<10240x128xf32, #tpu.memory_space<vmem_shared>>
        tpu.enqueue_indirect_dma source(%arg14 : memref<80x128xf32, #tpu.memory_space<vmem>>) target(%dma_start3A_75 : memref<10240x128xf32, #tpu.memory_space<vmem_shared>>) offsets(%arg16 : memref<80xi32, #tpu.memory_space<vmem>>) semaphore(%run_scoped3A : memref<!tpu.dma_semaphore, #tpu.memory_space<semaphore_mem>>) {add = true}
        %dma_wait3A_76 = arith.constant 0 : i32
        %dma_wait3A_77 = arith.constant 0 : i32
        %dma_wait3A_78 = tpu.memref_slice %arg12[%dma_wait3A_76, %dma_wait3A_77] : memref<10240x128xf32, #tpu.memory_space<vmem_shared>> -> memref<10240x128xf32, #tpu.memory_space<vmem_shared>>
        tpu.wait_indirect_dma semaphore(%run_scoped3A : memref<!tpu.dma_semaphore, #tpu.memory_space<semaphore_mem>>) src(%arg14 : memref<80x128xf32, #tpu.memory_space<vmem>>) dst(%dma_wait3A_78 : memref<10240x128xf32, #tpu.memory_space<vmem_shared>>)
        tpu.yield
      }) : () -> ()
      %scan3A_72 = arith.constant 0 : i32
      scf.yield %scan3A_72 : i32
    }
    %scan3A_58 = arith.constant 125 : i32
    %barrier3A_59 = arith.constant 0 : index
    tpu.barrier barrier_id(%barrier3A_59)
    %mul3A_60 = arith.constant 10240 : i32
    %mul3A_61 = arith.muli %arg0, %mul3A_60 : i32
    %add3A_62 = arith.addi %mul3A_61, %mul3A_7 : i32
    "tpu.region"() ({
      %run_scoped3A = tpu.sem_alloc : memref<!tpu.dma_semaphore, #tpu.memory_space<semaphore_mem>>
      %dma_start3A = arith.constant 0 : i32
      %dma_start3A_63 = tpu.memref_slice %arg11[%add3A_62, %dma_start3A] : memref<20480x128xf32, #tpu.memory_space<hbm>> -> memref<640x128xf32, #tpu.memory_space<hbm>>
      %dma_start3A_64 = arith.constant 0 : i32
      %dma_start3A_65 = tpu.memref_slice %arg12[%mul3A_7, %dma_start3A_64] : memref<10240x128xf32, #tpu.memory_space<vmem_shared>> -> memref<640x128xf32, #tpu.memory_space<vmem_shared>>
      tpu.enqueue_dma source(%dma_start3A_65 : memref<640x128xf32, #tpu.memory_space<vmem_shared>>) target(%dma_start3A_63 : memref<640x128xf32, #tpu.memory_space<hbm>>) target_semaphore(%run_scoped3A : memref<!tpu.dma_semaphore, #tpu.memory_space<semaphore_mem>>)
      %dma_wait3A = arith.constant 0 : i32
      %dma_wait3A_66 = tpu.memref_slice %arg11[%add3A_62, %dma_wait3A] : memref<20480x128xf32, #tpu.memory_space<hbm>> -> memref<640x128xf32, #tpu.memory_space<hbm>>
      %dma_wait3A_67 = arith.constant 0 : i32
      %dma_wait3A_68 = tpu.memref_slice %arg12[%mul3A_7, %dma_wait3A_67] : memref<10240x128xf32, #tpu.memory_space<vmem_shared>> -> memref<640x128xf32, #tpu.memory_space<vmem_shared>>
      tpu.wait_dma2 semaphore(%run_scoped3A : memref<!tpu.dma_semaphore, #tpu.memory_space<semaphore_mem>>) src(%dma_wait3A_68 : memref<640x128xf32, #tpu.memory_space<vmem_shared>>) dst(%dma_wait3A_66 : memref<640x128xf32, #tpu.memory_space<hbm>>)
      tpu.yield
    }) : () -> ()
    return
  }
}

module attributes {stable_mosaic.version = 14 : i64} {
  func.func @_s2_body(%arg0: i32, %arg1: memref<1xi32, #tpu.memory_space<smem>>, %arg2: memref<2xf32, #tpu.memory_space<smem>>, %arg3: memref<1000x128xf32, #tpu.memory_space<vmem>>, %arg4: memref<1000x16xf32, #tpu.memory_space<vmem>>, %arg5: memref<1000x16xf32, #tpu.memory_space<vmem>>, %arg6: memref<1000x16xf32, #tpu.memory_space<vmem>>, %arg7: memref<1000x16xf32, #tpu.memory_space<vmem>>, %arg8: memref<128x128xf32, #tpu.memory_space<vmem>>, %arg9: memref<128x128xf32, #tpu.memory_space<vmem>>, %arg10: memref<1x128xf32, #tpu.memory_space<vmem>>, %arg11: memref<1x128xf32, #tpu.memory_space<vmem>>, %arg12: memref<1x128xf32, #tpu.memory_space<vmem>>, %arg13: memref<1x128xf32, #tpu.memory_space<vmem>>, %arg14: memref<1x128xf32, #tpu.memory_space<vmem>>, %arg15: memref<1x128xf32, #tpu.memory_space<vmem>>, %arg16: memref<1x128xf32, #tpu.memory_space<vmem>>, %arg17: memref<128x128xf32, #tpu.memory_space<vmem>>, %arg18: memref<1000x128xf32, #tpu.memory_space<vmem>>, %arg19: memref<1000x128xf32, #tpu.memory_space<vmem>>, %arg20: memref<1000x128xf32, #tpu.memory_space<vmem>>, %arg21: memref<1000x128xf32, #tpu.memory_space<vmem>>, %arg22: memref<1000x128xf32, #tpu.memory_space<vmem>>, %arg23: memref<1000x128xf32, #tpu.memory_space<vmem>>) attributes {dimension_semantics = [#tpu.dimension_semantics<arbitrary>], iteration_bounds = array<i64: 10>, scalar_prefetch = 0 : i64, scratch_operands = 0 : i64, tpu.core_type = #tpu.core_type<tc>, window_params = [{transform_indices = @transform_0, window_bounds = array<i64: 1>}, {transform_indices = @transform_1, window_bounds = array<i64: 2>}, {transform_indices = @transform_2, window_bounds = array<i64: 1000, 128>}, {transform_indices = @transform_3, window_bounds = array<i64: 1000, 16>}, {transform_indices = @transform_4, window_bounds = array<i64: 1000, 16>}, {transform_indices = @transform_5, window_bounds = array<i64: 1000, 16>}, {transform_indices = @transform_6, window_bounds = array<i64: 1000, 16>}, {pipeline_mode = #tpu.pipeline_mode<synchronous>, transform_indices = @transform_7, window_bounds = array<i64: 128, 128>}, {pipeline_mode = #tpu.pipeline_mode<synchronous>, transform_indices = @transform_8, window_bounds = array<i64: 128, 128>}, {pipeline_mode = #tpu.pipeline_mode<synchronous>, transform_indices = @transform_9, window_bounds = array<i64: 1, 128>}, {pipeline_mode = #tpu.pipeline_mode<synchronous>, transform_indices = @transform_10, window_bounds = array<i64: 1, 128>}, {pipeline_mode = #tpu.pipeline_mode<synchronous>, transform_indices = @transform_11, window_bounds = array<i64: 1, 128>}, {pipeline_mode = #tpu.pipeline_mode<synchronous>, transform_indices = @transform_12, window_bounds = array<i64: 1, 128>}, {pipeline_mode = #tpu.pipeline_mode<synchronous>, transform_indices = @transform_13, window_bounds = array<i64: 1, 128>}, {pipeline_mode = #tpu.pipeline_mode<synchronous>, transform_indices = @transform_14, window_bounds = array<i64: 1, 128>}, {pipeline_mode = #tpu.pipeline_mode<synchronous>, transform_indices = @transform_15, window_bounds = array<i64: 1, 128>}, {pipeline_mode = #tpu.pipeline_mode<synchronous>, transform_indices = @transform_16, window_bounds = array<i64: 128, 128>}, {transform_indices = @transform_17, window_bounds = array<i64: 1000, 128>}, {transform_indices = @transform_18, window_bounds = array<i64: 1000, 128>}, {transform_indices = @transform_19, window_bounds = array<i64: 1000, 128>}, {transform_indices = @transform_20, window_bounds = array<i64: 1000, 128>}, {transform_indices = @transform_21, window_bounds = array<i64: 1000, 128>}, {transform_indices = @transform_22, window_bounds = array<i64: 1000, 128>}]} {
    %get3A = arith.constant 0 : index
    %get3A_0 = arith.constant 0 : index
    %get3A_1 = vector.load %arg3[%get3A, %get3A_0] : memref<1000x128xf32, #tpu.memory_space<vmem>>, vector<1000x128xf32>
    %get3A_2 = arith.constant 0 : index
    %get3A_3 = arith.constant 0 : index
    %get3A_4 = vector.load %arg4[%get3A_2, %get3A_3] : memref<1000x16xf32, #tpu.memory_space<vmem>>, vector<1000x1xf32>
    %add3A = arith.constant 1.000000e+00 : f32
    %add3A_5 = vector.broadcast %add3A : f32 to vector<1000x1xf32>
    %add3A_6 = arith.addf %get3A_4, %add3A_5 : vector<1000x1xf32>
    %rsqrt3A = math.rsqrt %add3A_6 : vector<1000x1xf32>
    %get3A_7 = arith.constant 0 : index
    %get3A_8 = arith.constant 0 : index
    %get3A_9 = vector.load %arg5[%get3A_7, %get3A_8] : memref<1000x16xf32, #tpu.memory_space<vmem>>, vector<1000x1xf32>
    %add3A_10 = arith.constant 1.000000e+00 : f32
    %add3A_11 = vector.broadcast %add3A_10 : f32 to vector<1000x1xf32>
    %add3A_12 = arith.addf %get3A_9, %add3A_11 : vector<1000x1xf32>
    %rsqrt3A_13 = math.rsqrt %add3A_12 : vector<1000x1xf32>
    %get3A_14 = arith.constant 0 : index
    %get3A_15 = arith.constant 0 : index
    %get3A_16 = vector.load %arg6[%get3A_14, %get3A_15] : memref<1000x16xf32, #tpu.memory_space<vmem>>, vector<1000x1xf32>
    %get3A_17 = arith.constant 0 : index
    %get3A_18 = arith.constant 0 : index
    %get3A_19 = vector.load %arg7[%get3A_17, %get3A_18] : memref<1000x16xf32, #tpu.memory_space<vmem>>, vector<1000x1xf32>
    %get3A_20 = arith.constant 0 : index
    %get3A_21 = arith.constant 0 : index
    %get3A_22 = vector.load %arg8[%get3A_20, %get3A_21] : memref<128x128xf32, #tpu.memory_space<vmem>>, vector<128x128xf32>
    %dot_general3A = arith.constant dense<0.000000e+00> : vector<1000x128xf32>
    %dot_general3A_23 = tpu.matmul %get3A_1, %get3A_22, %dot_general3A {dimension_numbers = #tpu.dot_dimension_numbers<[1], [0], [0], [1], [0, 0, 1, 1], [], []>, transpose_lhs_hint = false} : vector<1000x128xf32>, vector<128x128xf32>, vector<1000x128xf32> -> vector<1000x128xf32>
    %mul3A = vector.broadcast %rsqrt3A : vector<1000x1xf32> to vector<1000x128xf32>
    %mul3A_24 = arith.mulf %mul3A, %dot_general3A_23 : vector<1000x128xf32>
    %swap3A = arith.constant 0 : index
    %swap3A_25 = arith.constant 0 : index
    %swap3A_26 = vector.load %arg18[%swap3A, %swap3A_25] : memref<1000x128xf32, #tpu.memory_space<vmem>>, vector<1000x128xf32>
    tpu.vector_store %arg18[%swap3A, %swap3A_25], %mul3A_24 {strides = array<i32>} : memref<1000x128xf32, #tpu.memory_space<vmem>>, vector<1000x128xf32>,
    %mul3A_27 = vector.broadcast %rsqrt3A_13 : vector<1000x1xf32> to vector<1000x128xf32>
    %mul3A_28 = arith.mulf %mul3A_27, %dot_general3A_23 : vector<1000x128xf32>
    %swap3A_29 = arith.constant 0 : index
    %swap3A_30 = arith.constant 0 : index
    %swap3A_31 = vector.load %arg19[%swap3A_29, %swap3A_30] : memref<1000x128xf32, #tpu.memory_space<vmem>>, vector<1000x128xf32>
    tpu.vector_store %arg19[%swap3A_29, %swap3A_30], %mul3A_28 {strides = array<i32>} : memref<1000x128xf32, #tpu.memory_space<vmem>>, vector<1000x128xf32>,
    %get3A_32 = arith.constant 0 : index
    %get3A_33 = memref.load %arg1[%get3A_32] : memref<1xi32, #tpu.memory_space<smem>>
    %get3A_34 = arith.constant 0 : index
    %get3A_35 = memref.load %arg2[%get3A_34] : memref<2xf32, #tpu.memory_space<smem>>
    %get3A_36 = arith.constant 1 : index
    %get3A_37 = memref.load %arg2[%get3A_36] : memref<2xf32, #tpu.memory_space<smem>>
    %mul3A_38 = arith.constant 1000 : i32
    %mul3A_39 = arith.muli %arg0, %mul3A_38 : i32
    %iota3A = tpu.iota {dimensions = array<i32: 0>} : vector<1000x1xi32>
    %add3A_40 = vector.broadcast %mul3A_39 : i32 to vector<1000x1xi32>
    %add3A_41 = arith.addi %add3A_40, %iota3A : vector<1000x1xi32>
    %eq3A = vector.broadcast %get3A_33 : i32 to vector<1000x1xi32>
    %eq3A_42 = arith.cmpi eq, %add3A_41, %eq3A : vector<1000x1xi32>
    %convert_element_type3A = arith.extui %eq3A_42 : vector<1000x1xi1> to vector<1000x1xi32>
    %convert_element_type3A_43 = arith.sitofp %convert_element_type3A : vector<1000x1xi32> to vector<1000x1xf32>
    %mul3A_44 = vector.broadcast %get3A_35 : f32 to vector<1000x1xf32>
    %mul3A_45 = arith.mulf %mul3A_44, %get3A_16 : vector<1000x1xf32>
    %mul3A_46 = arith.mulf %rsqrt3A, %mul3A_45 : vector<1000x1xf32>
    %mul3A_47 = arith.mulf %get3A_35, %get3A_35 : f32
    %mul3A_48 = vector.broadcast %mul3A_47 : f32 to vector<1000x1xf32>
    %mul3A_49 = arith.mulf %convert_element_type3A_43, %mul3A_48 : vector<1000x1xf32>
    %add3A_50 = arith.addf %mul3A_46, %mul3A_49 : vector<1000x1xf32>
    %mul3A_51 = vector.broadcast %get3A_37 : f32 to vector<1000x1xf32>
    %mul3A_52 = arith.mulf %mul3A_51, %get3A_19 : vector<1000x1xf32>
    %mul3A_53 = arith.mulf %rsqrt3A_13, %mul3A_52 : vector<1000x1xf32>
    %mul3A_54 = arith.mulf %get3A_37, %get3A_37 : f32
    %mul3A_55 = vector.broadcast %mul3A_54 : f32 to vector<1000x1xf32>
    %mul3A_56 = arith.mulf %convert_element_type3A_43, %mul3A_55 : vector<1000x1xf32>
    %add3A_57 = arith.addf %mul3A_53, %mul3A_56 : vector<1000x1xf32>
    %get3A_58 = arith.constant 0 : index
    %get3A_59 = arith.constant 0 : index
    %get3A_60 = vector.load %arg15[%get3A_58, %get3A_59] : memref<1x128xf32, #tpu.memory_space<vmem>>, vector<1x128xf32>
    %mul3A_61 = vector.broadcast %add3A_50 : vector<1000x1xf32> to vector<1000x128xf32>
    %mul3A_62 = vector.broadcast %get3A_60 : vector<1x128xf32> to vector<1000x128xf32>
    %mul3A_63 = arith.mulf %mul3A_61, %mul3A_62 : vector<1000x128xf32>
    %get3A_64 = arith.constant 0 : index
    %get3A_65 = arith.constant 0 : index
    %get3A_66 = vector.load %arg16[%get3A_64, %get3A_65] : memref<1x128xf32, #tpu.memory_space<vmem>>, vector<1x128xf32>
    %add3A_67 = vector.broadcast %get3A_66 : vector<1x128xf32> to vector<1000x128xf32>
    %add3A_68 = arith.addf %mul3A_63, %add3A_67 : vector<1000x128xf32>
    %max3A = arith.constant 0.000000e+00 : f32
    %max3A_69 = vector.broadcast %max3A : f32 to vector<1000x128xf32>
    %max3A_70 = arith.maximumf %add3A_68, %max3A_69 : vector<1000x128xf32>
    %swap3A_71 = arith.constant 0 : index
    %swap3A_72 = arith.constant 0 : index
    %swap3A_73 = vector.load %arg21[%swap3A_71, %swap3A_72] : memref<1000x128xf32, #tpu.memory_space<vmem>>, vector<1000x128xf32>
    tpu.vector_store %arg21[%swap3A_71, %swap3A_72], %max3A_70 {strides = array<i32>} : memref<1000x128xf32, #tpu.memory_space<vmem>>, vector<1000x128xf32>,
    %get3A_74 = arith.constant 0 : index
    %get3A_75 = arith.constant 0 : index
    %get3A_76 = vector.load %arg15[%get3A_74, %get3A_75] : memref<1x128xf32, #tpu.memory_space<vmem>>, vector<1x128xf32>
    %mul3A_77 = vector.broadcast %add3A_57 : vector<1000x1xf32> to vector<1000x128xf32>
    %mul3A_78 = vector.broadcast %get3A_76 : vector<1x128xf32> to vector<1000x128xf32>
    %mul3A_79 = arith.mulf %mul3A_77, %mul3A_78 : vector<1000x128xf32>
    %get3A_80 = arith.constant 0 : index
    %get3A_81 = arith.constant 0 : index
    %get3A_82 = vector.load %arg16[%get3A_80, %get3A_81] : memref<1x128xf32, #tpu.memory_space<vmem>>, vector<1x128xf32>
    %add3A_83 = vector.broadcast %get3A_82 : vector<1x128xf32> to vector<1000x128xf32>
    %add3A_84 = arith.addf %mul3A_79, %add3A_83 : vector<1000x128xf32>
    %max3A_85 = arith.constant 0.000000e+00 : f32
    %max3A_86 = vector.broadcast %max3A_85 : f32 to vector<1000x128xf32>
    %max3A_87 = arith.maximumf %add3A_84, %max3A_86 : vector<1000x128xf32>
    %swap3A_88 = arith.constant 0 : index
    %swap3A_89 = arith.constant 0 : index
    %swap3A_90 = vector.load %arg22[%swap3A_88, %swap3A_89] : memref<1000x128xf32, #tpu.memory_space<vmem>>, vector<1000x128xf32>
    tpu.vector_store %arg22[%swap3A_88, %swap3A_89], %max3A_87 {strides = array<i32>} : memref<1000x128xf32, #tpu.memory_space<vmem>>, vector<1000x128xf32>,
    %get3A_91 = arith.constant 0 : index
    %get3A_92 = arith.constant 0 : index
    %get3A_93 = vector.load %arg9[%get3A_91, %get3A_92] : memref<128x128xf32, #tpu.memory_space<vmem>>, vector<128x128xf32>
    %dot_general3A_94 = arith.constant dense<0.000000e+00> : vector<1000x128xf32>
    %dot_general3A_95 = tpu.matmul %get3A_1, %get3A_93, %dot_general3A_94 {dimension_numbers = #tpu.dot_dimension_numbers<[1], [0], [0], [1], [0, 0, 1, 1], [], []>, transpose_lhs_hint = false} : vector<1000x128xf32>, vector<128x128xf32>, vector<1000x128xf32> -> vector<1000x128xf32>
    %get3A_96 = arith.constant 0 : index
    %get3A_97 = arith.constant 0 : index
    %get3A_98 = vector.load %arg10[%get3A_96, %get3A_97] : memref<1x128xf32, #tpu.memory_space<vmem>>, vector<1x128xf32>
    %add3A_99 = vector.broadcast %get3A_98 : vector<1x128xf32> to vector<1000x128xf32>
    %add3A_100 = arith.addf %dot_general3A_95, %add3A_99 : vector<1000x128xf32>
    %get3A_101 = arith.constant 0 : index
    %get3A_102 = arith.constant 0 : index
    %get3A_103 = vector.load %arg12[%get3A_101, %get3A_102] : memref<1x128xf32, #tpu.memory_space<vmem>>, vector<1x128xf32>
    %get3A_104 = arith.constant 0 : index
    %get3A_105 = arith.constant 0 : index
    %get3A_106 = vector.load %arg11[%get3A_104, %get3A_105] : memref<1x128xf32, #tpu.memory_space<vmem>>, vector<1x128xf32>
    %mul3A_107 = vector.broadcast %convert_element_type3A_43 : vector<1000x1xf32> to vector<1000x128xf32>
    %mul3A_108 = vector.broadcast %get3A_106 : vector<1x128xf32> to vector<1000x128xf32>
    %mul3A_109 = arith.mulf %mul3A_107, %mul3A_108 : vector<1000x128xf32>
    %add3A_110 = vector.broadcast %get3A_103 : vector<1x128xf32> to vector<1000x128xf32>
    %add3A_111 = arith.addf %add3A_110, %mul3A_109 : vector<1000x128xf32>
    %get3A_112 = arith.constant 0 : index
    %get3A_113 = arith.constant 0 : index
    %get3A_114 = vector.load %arg13[%get3A_112, %get3A_113] : memref<1x128xf32, #tpu.memory_space<vmem>>, vector<1x128xf32>
    %mul3A_115 = vector.broadcast %get3A_114 : vector<1x128xf32> to vector<1000x128xf32>
    %mul3A_116 = arith.mulf %add3A_111, %mul3A_115 : vector<1000x128xf32>
    %reduce_sum3A = arith.constant dense<0.000000e+00> : vector<1000xf32>
    %reduce_sum3A_117 = vector.multi_reduction <add>, %mul3A_116, %reduce_sum3A [1] : vector<1000x128xf32> to vector<1000xf32>
    %broadcast_in_dim3A = vector.shape_cast %reduce_sum3A_117 : vector<1000xf32> to vector<1000x1xf32>
    %get3A_118 = arith.constant 0 : index
    %get3A_119 = arith.constant 0 : index
    %get3A_120 = vector.load %arg14[%get3A_118, %get3A_119] : memref<1x128xf32, #tpu.memory_space<vmem>>, vector<1x128xf32>
    %mul3A_121 = vector.broadcast %get3A_120 : vector<1x128xf32> to vector<1000x128xf32>
    %mul3A_122 = arith.mulf %add3A_100, %mul3A_121 : vector<1000x128xf32>
    %reduce_sum3A_123 = arith.constant dense<0.000000e+00> : vector<1000xf32>
    %reduce_sum3A_124 = vector.multi_reduction <add>, %mul3A_122, %reduce_sum3A_123 [1] : vector<1000x128xf32> to vector<1000xf32>
    %broadcast_in_dim3A_125 = vector.shape_cast %reduce_sum3A_124 : vector<1000xf32> to vector<1000x1xf32>
    %max3A_126 = arith.maximumf %broadcast_in_dim3A, %broadcast_in_dim3A_125 : vector<1000x1xf32>
    %sub3A = arith.subf %broadcast_in_dim3A, %max3A_126 : vector<1000x1xf32>
    %exp3A = math.exp %sub3A : vector<1000x1xf32>
    %sub3A_127 = arith.subf %broadcast_in_dim3A_125, %max3A_126 : vector<1000x1xf32>
    %exp3A_128 = math.exp %sub3A_127 : vector<1000x1xf32>
    %mul3A_129 = vector.broadcast %exp3A : vector<1000x1xf32> to vector<1000x128xf32>
    %mul3A_130 = arith.mulf %mul3A_129, %add3A_111 : vector<1000x128xf32>
    %mul3A_131 = vector.broadcast %exp3A_128 : vector<1000x1xf32> to vector<1000x128xf32>
    %mul3A_132 = arith.mulf %mul3A_131, %add3A_100 : vector<1000x128xf32>
    %add3A_133 = arith.addf %mul3A_130, %mul3A_132 : vector<1000x128xf32>
    %add3A_134 = arith.addf %exp3A, %exp3A_128 : vector<1000x1xf32>
    %div3A = vector.broadcast %add3A_134 : vector<1000x1xf32> to vector<1000x128xf32>
    %div3A_135 = arith.divf %add3A_133, %div3A : vector<1000x128xf32>
    %swap3A_136 = arith.constant 0 : index
    %swap3A_137 = arith.constant 0 : index
    %swap3A_138 = vector.load %arg23[%swap3A_136, %swap3A_137] : memref<1000x128xf32, #tpu.memory_space<vmem>>, vector<1000x128xf32>
    tpu.vector_store %arg23[%swap3A_136, %swap3A_137], %div3A_135 {strides = array<i32>} : memref<1000x128xf32, #tpu.memory_space<vmem>>, vector<1000x128xf32>,
    %get3A_139 = arith.constant 0 : index
    %get3A_140 = arith.constant 0 : index
    %get3A_141 = vector.load %arg17[%get3A_139, %get3A_140] : memref<128x128xf32, #tpu.memory_space<vmem>>, vector<128x128xf32>
    %dot_general3A_142 = arith.constant dense<0.000000e+00> : vector<1000x128xf32>
    %dot_general3A_143 = tpu.matmul %div3A_135, %get3A_141, %dot_general3A_142 {dimension_numbers = #tpu.dot_dimension_numbers<[1], [0], [0], [1], [0, 0, 1, 1], [], []>, transpose_lhs_hint = false} : vector<1000x128xf32>, vector<128x128xf32>, vector<1000x128xf32> -> vector<1000x128xf32>
    %mul3A_144 = vector.broadcast %rsqrt3A : vector<1000x1xf32> to vector<1000x128xf32>
    %mul3A_145 = arith.mulf %mul3A_144, %dot_general3A_143 : vector<1000x128xf32>
    %swap3A_146 = arith.constant 0 : index
    %swap3A_147 = arith.constant 0 : index
    %swap3A_148 = vector.load %arg20[%swap3A_146, %swap3A_147] : memref<1000x128xf32, #tpu.memory_space<vmem>>, vector<1000x128xf32>
    tpu.vector_store %arg20[%swap3A_146, %swap3A_147], %mul3A_145 {strides = array<i32>} : memref<1000x128xf32, #tpu.memory_space<vmem>>, vector<1000x128xf32>,
    return
  }
  func.func @transform_0(%arg0: i32) -> i32 {
    %c0_i32 = arith.constant 0 : i32
    %c0_i32_0 = arith.constant 0 : i32
    return %c0_i32 : i32
  }
  func.func @transform_1(%arg0: i32) -> i32 {
    %c0_i32 = arith.constant 0 : i32
    %c0_i32_0 = arith.constant 0 : i32
    return %c0_i32 : i32
  }
  func.func @transform_2(%arg0: i32) -> (i32, i32) {
    %c0_i32 = arith.constant 0 : i32
    %c0_i32_0 = arith.constant 0 : i32
    return %arg0, %c0_i32 : i32, i32
  }
  func.func @transform_3(%arg0: i32) -> (i32, i32) {
    %c0_i32 = arith.constant 0 : i32
    %c0_i32_0 = arith.constant 0 : i32
    return %arg0, %c0_i32 : i32, i32
  }
  func.func @transform_4(%arg0: i32) -> (i32, i32) {
    %c0_i32 = arith.constant 0 : i32
    %c0_i32_0 = arith.constant 0 : i32
    return %arg0, %c0_i32 : i32, i32
  }
  func.func @transform_5(%arg0: i32) -> (i32, i32) {
    %c0_i32 = arith.constant 0 : i32
    %c0_i32_0 = arith.constant 0 : i32
    return %arg0, %c0_i32 : i32, i32
  }
  func.func @transform_6(%arg0: i32) -> (i32, i32) {
    %c0_i32 = arith.constant 0 : i32
    %c0_i32_0 = arith.constant 0 : i32
    return %arg0, %c0_i32 : i32, i32
  }
  func.func @transform_7(%arg0: i32) -> (i32, i32) {
    %c0_i32 = arith.constant 0 : i32
    %c0_i32_0 = arith.constant 0 : i32
    %c0_i32_1 = arith.constant 0 : i32
    return %c0_i32, %c0_i32_0 : i32, i32
  }
  func.func @transform_8(%arg0: i32) -> (i32, i32) {
    %c0_i32 = arith.constant 0 : i32
    %c0_i32_0 = arith.constant 0 : i32
    %c0_i32_1 = arith.constant 0 : i32
    return %c0_i32, %c0_i32_0 : i32, i32
  }
  func.func @transform_9(%arg0: i32) -> (i32, i32) {
    %c0_i32 = arith.constant 0 : i32
    %c0_i32_0 = arith.constant 0 : i32
    %c0_i32_1 = arith.constant 0 : i32
    return %c0_i32, %c0_i32_0 : i32, i32
  }
  func.func @transform_10(%arg0: i32) -> (i32, i32) {
    %c0_i32 = arith.constant 0 : i32
    %c0_i32_0 = arith.constant 0 : i32
    %c0_i32_1 = arith.constant 0 : i32
    return %c0_i32, %c0_i32_0 : i32, i32
  }
  func.func @transform_11(%arg0: i32) -> (i32, i32) {
    %c0_i32 = arith.constant 0 : i32
    %c0_i32_0 = arith.constant 0 : i32
    %c0_i32_1 = arith.constant 0 : i32
    return %c0_i32, %c0_i32_0 : i32, i32
  }
  func.func @transform_12(%arg0: i32) -> (i32, i32) {
    %c0_i32 = arith.constant 0 : i32
    %c0_i32_0 = arith.constant 0 : i32
    %c0_i32_1 = arith.constant 0 : i32
    return %c0_i32, %c0_i32_0 : i32, i32
  }
  func.func @transform_13(%arg0: i32) -> (i32, i32) {
    %c0_i32 = arith.constant 0 : i32
    %c0_i32_0 = arith.constant 0 : i32
    %c0_i32_1 = arith.constant 0 : i32
    return %c0_i32, %c0_i32_0 : i32, i32
  }
  func.func @transform_14(%arg0: i32) -> (i32, i32) {
    %c0_i32 = arith.constant 0 : i32
    %c0_i32_0 = arith.constant 0 : i32
    %c0_i32_1 = arith.constant 0 : i32
    return %c0_i32, %c0_i32_0 : i32, i32
  }
  func.func @transform_15(%arg0: i32) -> (i32, i32) {
    %c0_i32 = arith.constant 0 : i32
    %c0_i32_0 = arith.constant 0 : i32
    %c0_i32_1 = arith.constant 0 : i32
    return %c0_i32, %c0_i32_0 : i32, i32
  }
  func.func @transform_16(%arg0: i32) -> (i32, i32) {
    %c0_i32 = arith.constant 0 : i32
    %c0_i32_0 = arith.constant 0 : i32
    %c0_i32_1 = arith.constant 0 : i32
    return %c0_i32, %c0_i32_0 : i32, i32
  }
  func.func @transform_17(%arg0: i32) -> (i32, i32) {
    %c0_i32 = arith.constant 0 : i32
    %c0_i32_0 = arith.constant 0 : i32
    return %arg0, %c0_i32 : i32, i32
  }
  func.func @transform_18(%arg0: i32) -> (i32, i32) {
    %c0_i32 = arith.constant 0 : i32
    %c0_i32_0 = arith.constant 0 : i32
    return %arg0, %c0_i32 : i32, i32
  }
  func.func @transform_19(%arg0: i32) -> (i32, i32) {
    %c0_i32 = arith.constant 0 : i32
    %c0_i32_0 = arith.constant 0 : i32
    return %arg0, %c0_i32 : i32, i32
  }
  func.func @transform_20(%arg0: i32) -> (i32, i32) {
    %c0_i32 = arith.constant 0 : i32
    %c0_i32_0 = arith.constant 0 : i32
    return %arg0, %c0_i32 : i32, i32
  }
  func.func @transform_21(%arg0: i32) -> (i32, i32) {
    %c0_i32 = arith.constant 0 : i32
    %c0_i32_0 = arith.constant 0 : i32
    return %arg0, %c0_i32 : i32, i32
  }
  func.func @transform_22(%arg0: i32) -> (i32, i32) {
    %c0_i32 = arith.constant 0 : i32
    %c0_i32_0 = arith.constant 0 : i32
    return %arg0, %c0_i32 : i32, i32
  }
}

module attributes {stable_mosaic.version = 14 : i64} {
  func.func @_s4_body(%arg0: i32, %arg1: memref<1000x128xf32, #tpu.memory_space<vmem>>, %arg2: memref<1000x128xf32, #tpu.memory_space<vmem>>, %arg3: memref<1000x128xf32, #tpu.memory_space<vmem>>, %arg4: memref<1000x128xf32, #tpu.memory_space<vmem>>, %arg5: memref<1000x128xf32, #tpu.memory_space<vmem>>, %arg6: memref<1000x128xf32, #tpu.memory_space<vmem>>, %arg7: memref<1000x128xf32, #tpu.memory_space<vmem>>, %arg8: memref<1000x128xf32, #tpu.memory_space<vmem>>, %arg9: memref<1000x128xf32, #tpu.memory_space<vmem>>, %arg10: memref<1000x128xf32, #tpu.memory_space<vmem>>, %arg11: memref<1000x16xf32, #tpu.memory_space<vmem>>, %arg12: memref<1000x16xf32, #tpu.memory_space<vmem>>, %arg13: memref<1x128xf32, #tpu.memory_space<vmem>>, %arg14: memref<1x128xf32, #tpu.memory_space<vmem>>, %arg15: memref<1x128xf32, #tpu.memory_space<vmem>>, %arg16: memref<1x128xf32, #tpu.memory_space<vmem>>, %arg17: memref<1000x128xf32, #tpu.memory_space<vmem>>, %arg18: memref<1000x128xf32, #tpu.memory_space<vmem>>) attributes {dimension_semantics = [#tpu.dimension_semantics<arbitrary>], iteration_bounds = array<i64: 10>, scalar_prefetch = 0 : i64, scratch_operands = 0 : i64, tpu.core_type = #tpu.core_type<tc>, window_params = [{transform_indices = @transform_0, window_bounds = array<i64: 1000, 128>}, {transform_indices = @transform_1, window_bounds = array<i64: 1000, 128>}, {transform_indices = @transform_2, window_bounds = array<i64: 1000, 128>}, {transform_indices = @transform_3, window_bounds = array<i64: 1000, 128>}, {transform_indices = @transform_4, window_bounds = array<i64: 1000, 128>}, {transform_indices = @transform_5, window_bounds = array<i64: 1000, 128>}, {transform_indices = @transform_6, window_bounds = array<i64: 1000, 128>}, {transform_indices = @transform_7, window_bounds = array<i64: 1000, 128>}, {transform_indices = @transform_8, window_bounds = array<i64: 1000, 128>}, {transform_indices = @transform_9, window_bounds = array<i64: 1000, 128>}, {transform_indices = @transform_10, window_bounds = array<i64: 1000, 16>}, {transform_indices = @transform_11, window_bounds = array<i64: 1000, 16>}, {pipeline_mode = #tpu.pipeline_mode<synchronous>, transform_indices = @transform_12, window_bounds = array<i64: 1, 128>}, {pipeline_mode = #tpu.pipeline_mode<synchronous>, transform_indices = @transform_13, window_bounds = array<i64: 1, 128>}, {pipeline_mode = #tpu.pipeline_mode<synchronous>, transform_indices = @transform_14, window_bounds = array<i64: 1, 128>}, {pipeline_mode = #tpu.pipeline_mode<synchronous>, transform_indices = @transform_15, window_bounds = array<i64: 1, 128>}, {transform_indices = @transform_16, window_bounds = array<i64: 1000, 128>}, {transform_indices = @transform_17, window_bounds = array<i64: 1000, 128>}]} {
    %get3A = arith.constant 0 : index
    %get3A_0 = arith.constant 0 : index
    %get3A_1 = vector.load %arg11[%get3A, %get3A_0] : memref<1000x16xf32, #tpu.memory_space<vmem>>, vector<1000x1xf32>
    %add3A = arith.constant 1.000000e+00 : f32
    %add3A_2 = vector.broadcast %add3A : f32 to vector<1000x1xf32>
    %add3A_3 = arith.addf %get3A_1, %add3A_2 : vector<1000x1xf32>
    %rsqrt3A = math.rsqrt %add3A_3 : vector<1000x1xf32>
    %get3A_4 = arith.constant 0 : index
    %get3A_5 = arith.constant 0 : index
    %get3A_6 = vector.load %arg12[%get3A_4, %get3A_5] : memref<1000x16xf32, #tpu.memory_space<vmem>>, vector<1000x1xf32>
    %add3A_7 = arith.constant 1.000000e+00 : f32
    %add3A_8 = vector.broadcast %add3A_7 : f32 to vector<1000x1xf32>
    %add3A_9 = arith.addf %get3A_6, %add3A_8 : vector<1000x1xf32>
    %rsqrt3A_10 = math.rsqrt %add3A_9 : vector<1000x1xf32>
    %get3A_11 = arith.constant 0 : index
    %get3A_12 = arith.constant 0 : index
    %get3A_13 = vector.load %arg13[%get3A_11, %get3A_12] : memref<1x128xf32, #tpu.memory_space<vmem>>, vector<1x128xf32>
    %get3A_14 = arith.constant 0 : index
    %get3A_15 = arith.constant 0 : index
    %get3A_16 = vector.load %arg15[%get3A_14, %get3A_15] : memref<1x128xf32, #tpu.memory_space<vmem>>, vector<1x128xf32>
    %get3A_17 = arith.constant 0 : index
    %get3A_18 = arith.constant 0 : index
    %get3A_19 = vector.load %arg16[%get3A_17, %get3A_18] : memref<1x128xf32, #tpu.memory_space<vmem>>, vector<1x128xf32>
    %get3A_20 = arith.constant 0 : index
    %get3A_21 = arith.constant 0 : index
    %get3A_22 = vector.load %arg1[%get3A_20, %get3A_21] : memref<1000x128xf32, #tpu.memory_space<vmem>>, vector<1000x128xf32>
    %get3A_23 = arith.constant 0 : index
    %get3A_24 = arith.constant 0 : index
    %get3A_25 = vector.load %arg5[%get3A_23, %get3A_24] : memref<1000x128xf32, #tpu.memory_space<vmem>>, vector<1000x128xf32>
    %add3A_26 = arith.addf %get3A_22, %get3A_25 : vector<1000x128xf32>
    %mul3A = vector.broadcast %rsqrt3A : vector<1000x1xf32> to vector<1000x128xf32>
    %mul3A_27 = arith.mulf %mul3A, %add3A_26 : vector<1000x128xf32>
    %add3A_28 = vector.broadcast %get3A_13 : vector<1x128xf32> to vector<1000x128xf32>
    %add3A_29 = arith.addf %mul3A_27, %add3A_28 : vector<1000x128xf32>
    %max3A = arith.constant 0.000000e+00 : f32
    %max3A_30 = vector.broadcast %max3A : f32 to vector<1000x128xf32>
    %max3A_31 = arith.maximumf %add3A_29, %max3A_30 : vector<1000x128xf32>
    %get3A_32 = arith.constant 0 : index
    %get3A_33 = arith.constant 0 : index
    %get3A_34 = vector.load %arg2[%get3A_32, %get3A_33] : memref<1000x128xf32, #tpu.memory_space<vmem>>, vector<1000x128xf32>
    %get3A_35 = arith.constant 0 : index
    %get3A_36 = arith.constant 0 : index
    %get3A_37 = vector.load %arg6[%get3A_35, %get3A_36] : memref<1000x128xf32, #tpu.memory_space<vmem>>, vector<1000x128xf32>
    %add3A_38 = arith.addf %get3A_34, %get3A_37 : vector<1000x128xf32>
    %mul3A_39 = vector.broadcast %rsqrt3A_10 : vector<1000x1xf32> to vector<1000x128xf32>
    %mul3A_40 = arith.mulf %mul3A_39, %add3A_38 : vector<1000x128xf32>
    %add3A_41 = vector.broadcast %get3A_13 : vector<1x128xf32> to vector<1000x128xf32>
    %add3A_42 = arith.addf %mul3A_40, %add3A_41 : vector<1000x128xf32>
    %max3A_43 = arith.constant 0.000000e+00 : f32
    %max3A_44 = vector.broadcast %max3A_43 : f32 to vector<1000x128xf32>
    %max3A_45 = arith.maximumf %add3A_42, %max3A_44 : vector<1000x128xf32>
    %get3A_46 = arith.constant 0 : index
    %get3A_47 = arith.constant 0 : index
    %get3A_48 = vector.load %arg8[%get3A_46, %get3A_47] : memref<1000x128xf32, #tpu.memory_space<vmem>>, vector<1000x128xf32>
    %get3A_49 = arith.constant 0 : index
    %get3A_50 = arith.constant 0 : index
    %get3A_51 = vector.load %arg9[%get3A_49, %get3A_50] : memref<1000x128xf32, #tpu.memory_space<vmem>>, vector<1000x128xf32>
    %mul3A_52 = vector.broadcast %get3A_16 : vector<1x128xf32> to vector<1000x128xf32>
    %mul3A_53 = arith.mulf %get3A_48, %mul3A_52 : vector<1000x128xf32>
    %reduce_sum3A = arith.constant dense<0.000000e+00> : vector<1000xf32>
    %reduce_sum3A_54 = vector.multi_reduction <add>, %mul3A_53, %reduce_sum3A [1] : vector<1000x128xf32> to vector<1000xf32>
    %broadcast_in_dim3A = vector.shape_cast %reduce_sum3A_54 : vector<1000xf32> to vector<1000x1xf32>
    %mul3A_55 = vector.broadcast %get3A_19 : vector<1x128xf32> to vector<1000x128xf32>
    %mul3A_56 = arith.mulf %max3A_31, %mul3A_55 : vector<1000x128xf32>
    %reduce_sum3A_57 = arith.constant dense<0.000000e+00> : vector<1000xf32>
    %reduce_sum3A_58 = vector.multi_reduction <add>, %mul3A_56, %reduce_sum3A_57 [1] : vector<1000x128xf32> to vector<1000xf32>
    %broadcast_in_dim3A_59 = vector.shape_cast %reduce_sum3A_58 : vector<1000xf32> to vector<1000x1xf32>
    %max3A_60 = arith.maximumf %broadcast_in_dim3A, %broadcast_in_dim3A_59 : vector<1000x1xf32>
    %sub3A = arith.subf %broadcast_in_dim3A, %max3A_60 : vector<1000x1xf32>
    %exp3A = math.exp %sub3A : vector<1000x1xf32>
    %sub3A_61 = arith.subf %broadcast_in_dim3A_59, %max3A_60 : vector<1000x1xf32>
    %exp3A_62 = math.exp %sub3A_61 : vector<1000x1xf32>
    %mul3A_63 = vector.broadcast %exp3A : vector<1000x1xf32> to vector<1000x128xf32>
    %mul3A_64 = arith.mulf %mul3A_63, %get3A_48 : vector<1000x128xf32>
    %mul3A_65 = vector.broadcast %exp3A_62 : vector<1000x1xf32> to vector<1000x128xf32>
    %mul3A_66 = arith.mulf %mul3A_65, %max3A_31 : vector<1000x128xf32>
    %add3A_67 = arith.addf %mul3A_64, %mul3A_66 : vector<1000x128xf32>
    %add3A_68 = arith.addf %exp3A, %exp3A_62 : vector<1000x1xf32>
    %div3A = vector.broadcast %add3A_68 : vector<1000x1xf32> to vector<1000x128xf32>
    %div3A_69 = arith.divf %add3A_67, %div3A : vector<1000x128xf32>
    %mul3A_70 = vector.broadcast %get3A_16 : vector<1x128xf32> to vector<1000x128xf32>
    %mul3A_71 = arith.mulf %get3A_51, %mul3A_70 : vector<1000x128xf32>
    %reduce_sum3A_72 = arith.constant dense<0.000000e+00> : vector<1000xf32>
    %reduce_sum3A_73 = vector.multi_reduction <add>, %mul3A_71, %reduce_sum3A_72 [1] : vector<1000x128xf32> to vector<1000xf32>
    %broadcast_in_dim3A_74 = vector.shape_cast %reduce_sum3A_73 : vector<1000xf32> to vector<1000x1xf32>
    %mul3A_75 = vector.broadcast %get3A_19 : vector<1x128xf32> to vector<1000x128xf32>
    %mul3A_76 = arith.mulf %max3A_45, %mul3A_75 : vector<1000x128xf32>
    %reduce_sum3A_77 = arith.constant dense<0.000000e+00> : vector<1000xf32>
    %reduce_sum3A_78 = vector.multi_reduction <add>, %mul3A_76, %reduce_sum3A_77 [1] : vector<1000x128xf32> to vector<1000xf32>
    %broadcast_in_dim3A_79 = vector.shape_cast %reduce_sum3A_78 : vector<1000xf32> to vector<1000x1xf32>
    %max3A_80 = arith.maximumf %broadcast_in_dim3A_74, %broadcast_in_dim3A_79 : vector<1000x1xf32>
    %sub3A_81 = arith.subf %broadcast_in_dim3A_74, %max3A_80 : vector<1000x1xf32>
    %exp3A_82 = math.exp %sub3A_81 : vector<1000x1xf32>
    %sub3A_83 = arith.subf %broadcast_in_dim3A_79, %max3A_80 : vector<1000x1xf32>
    %exp3A_84 = math.exp %sub3A_83 : vector<1000x1xf32>
    %mul3A_85 = vector.broadcast %exp3A_82 : vector<1000x1xf32> to vector<1000x128xf32>
    %mul3A_86 = arith.mulf %mul3A_85, %get3A_51 : vector<1000x128xf32>
    %mul3A_87 = vector.broadcast %exp3A_84 : vector<1000x1xf32> to vector<1000x128xf32>
    %mul3A_88 = arith.mulf %mul3A_87, %max3A_45 : vector<1000x128xf32>
    %add3A_89 = arith.addf %mul3A_86, %mul3A_88 : vector<1000x128xf32>
    %add3A_90 = arith.addf %exp3A_82, %exp3A_84 : vector<1000x1xf32>
    %div3A_91 = vector.broadcast %add3A_90 : vector<1000x1xf32> to vector<1000x128xf32>
    %div3A_92 = arith.divf %add3A_89, %div3A_91 : vector<1000x128xf32>
    %swap3A = arith.constant 0 : index
    %swap3A_93 = arith.constant 0 : index
    %swap3A_94 = vector.load %arg18[%swap3A, %swap3A_93] : memref<1000x128xf32, #tpu.memory_space<vmem>>, vector<1000x128xf32>
    tpu.vector_store %arg18[%swap3A, %swap3A_93], %div3A_92 {strides = array<i32>} : memref<1000x128xf32, #tpu.memory_space<vmem>>, vector<1000x128xf32>,
    %get3A_95 = arith.constant 0 : index
    %get3A_96 = arith.constant 0 : index
    %get3A_97 = vector.load %arg3[%get3A_95, %get3A_96] : memref<1000x128xf32, #tpu.memory_space<vmem>>, vector<1000x128xf32>
    %get3A_98 = arith.constant 0 : index
    %get3A_99 = arith.constant 0 : index
    %get3A_100 = vector.load %arg4[%get3A_98, %get3A_99] : memref<1000x128xf32, #tpu.memory_space<vmem>>, vector<1000x128xf32>
    %add3A_101 = arith.addf %get3A_97, %get3A_100 : vector<1000x128xf32>
    %get3A_102 = arith.constant 0 : index
    %get3A_103 = arith.constant 0 : index
    %get3A_104 = vector.load %arg7[%get3A_102, %get3A_103] : memref<1000x128xf32, #tpu.memory_space<vmem>>, vector<1000x128xf32>
    %add3A_105 = arith.addf %add3A_101, %get3A_104 : vector<1000x128xf32>
    %mul3A_106 = vector.broadcast %rsqrt3A : vector<1000x1xf32> to vector<1000x128xf32>
    %mul3A_107 = arith.mulf %mul3A_106, %add3A_105 : vector<1000x128xf32>
    %get3A_108 = arith.constant 0 : index
    %get3A_109 = arith.constant 0 : index
    %get3A_110 = vector.load %arg14[%get3A_108, %get3A_109] : memref<1x128xf32, #tpu.memory_space<vmem>>, vector<1x128xf32>
    %add3A_111 = vector.broadcast %get3A_110 : vector<1x128xf32> to vector<1000x128xf32>
    %add3A_112 = arith.addf %mul3A_107, %add3A_111 : vector<1000x128xf32>
    %add3A_113 = arith.addf %div3A_69, %add3A_112 : vector<1000x128xf32>
    %max3A_114 = arith.constant 0.000000e+00 : f32
    %max3A_115 = vector.broadcast %max3A_114 : f32 to vector<1000x128xf32>
    %max3A_116 = arith.maximumf %add3A_113, %max3A_115 : vector<1000x128xf32>
    %swap3A_117 = arith.constant 0 : index
    %swap3A_118 = arith.constant 0 : index
    %swap3A_119 = vector.load %arg17[%swap3A_117, %swap3A_118] : memref<1000x128xf32, #tpu.memory_space<vmem>>, vector<1000x128xf32>
    tpu.vector_store %arg17[%swap3A_117, %swap3A_118], %max3A_116 {strides = array<i32>} : memref<1000x128xf32, #tpu.memory_space<vmem>>, vector<1000x128xf32>,
    return
  }
  func.func @transform_0(%arg0: i32) -> (i32, i32) {
    %c0_i32 = arith.constant 0 : i32
    %c0_i32_0 = arith.constant 0 : i32
    return %arg0, %c0_i32 : i32, i32
  }
  func.func @transform_1(%arg0: i32) -> (i32, i32) {
    %c0_i32 = arith.constant 0 : i32
    %c0_i32_0 = arith.constant 0 : i32
    return %arg0, %c0_i32 : i32, i32
  }
  func.func @transform_2(%arg0: i32) -> (i32, i32) {
    %c0_i32 = arith.constant 0 : i32
    %c0_i32_0 = arith.constant 0 : i32
    return %arg0, %c0_i32 : i32, i32
  }
  func.func @transform_3(%arg0: i32) -> (i32, i32) {
    %c0_i32 = arith.constant 0 : i32
    %c0_i32_0 = arith.constant 0 : i32
    return %arg0, %c0_i32 : i32, i32
  }
  func.func @transform_4(%arg0: i32) -> (i32, i32) {
    %c0_i32 = arith.constant 0 : i32
    %c0_i32_0 = arith.constant 0 : i32
    return %arg0, %c0_i32 : i32, i32
  }
  func.func @transform_5(%arg0: i32) -> (i32, i32) {
    %c0_i32 = arith.constant 0 : i32
    %c0_i32_0 = arith.constant 0 : i32
    return %arg0, %c0_i32 : i32, i32
  }
  func.func @transform_6(%arg0: i32) -> (i32, i32) {
    %c0_i32 = arith.constant 0 : i32
    %c0_i32_0 = arith.constant 0 : i32
    return %arg0, %c0_i32 : i32, i32
  }
  func.func @transform_7(%arg0: i32) -> (i32, i32) {
    %c0_i32 = arith.constant 0 : i32
    %c0_i32_0 = arith.constant 0 : i32
    return %arg0, %c0_i32 : i32, i32
  }
  func.func @transform_8(%arg0: i32) -> (i32, i32) {
    %c0_i32 = arith.constant 0 : i32
    %c0_i32_0 = arith.constant 0 : i32
    return %arg0, %c0_i32 : i32, i32
  }
  func.func @transform_9(%arg0: i32) -> (i32, i32) {
    %c0_i32 = arith.constant 0 : i32
    %c0_i32_0 = arith.constant 0 : i32
    return %arg0, %c0_i32 : i32, i32
  }
  func.func @transform_10(%arg0: i32) -> (i32, i32) {
    %c0_i32 = arith.constant 0 : i32
    %c0_i32_0 = arith.constant 0 : i32
    return %arg0, %c0_i32 : i32, i32
  }
  func.func @transform_11(%arg0: i32) -> (i32, i32) {
    %c0_i32 = arith.constant 0 : i32
    %c0_i32_0 = arith.constant 0 : i32
    return %arg0, %c0_i32 : i32, i32
  }
  func.func @transform_12(%arg0: i32) -> (i32, i32) {
    %c0_i32 = arith.constant 0 : i32
    %c0_i32_0 = arith.constant 0 : i32
    %c0_i32_1 = arith.constant 0 : i32
    return %c0_i32, %c0_i32_0 : i32, i32
  }
  func.func @transform_13(%arg0: i32) -> (i32, i32) {
    %c0_i32 = arith.constant 0 : i32
    %c0_i32_0 = arith.constant 0 : i32
    %c0_i32_1 = arith.constant 0 : i32
    return %c0_i32, %c0_i32_0 : i32, i32
  }
  func.func @transform_14(%arg0: i32) -> (i32, i32) {
    %c0_i32 = arith.constant 0 : i32
    %c0_i32_0 = arith.constant 0 : i32
    %c0_i32_1 = arith.constant 0 : i32
    return %c0_i32, %c0_i32_0 : i32, i32
  }
  func.func @transform_15(%arg0: i32) -> (i32, i32) {
    %c0_i32 = arith.constant 0 : i32
    %c0_i32_0 = arith.constant 0 : i32
    %c0_i32_1 = arith.constant 0 : i32
    return %c0_i32, %c0_i32_0 : i32, i32
  }
  func.func @transform_16(%arg0: i32) -> (i32, i32) {
    %c0_i32 = arith.constant 0 : i32
    %c0_i32_0 = arith.constant 0 : i32
    return %arg0, %c0_i32 : i32, i32
  }
  func.func @transform_17(%arg0: i32) -> (i32, i32) {
    %c0_i32 = arith.constant 0 : i32
    %c0_i32_0 = arith.constant 0 : i32
    return %arg0, %c0_i32 : i32, i32
  }
}

</mosaic_0001>

<sc_bundles>
// kernel: kernel.6.cloned.1.call-start
scs
__scs_entry_jumppad:
0x0: {  	(pc) =	sbr.rel $0x88, $3  }
0x1: {  	(tag) =	ssettag $0x0;
	lr =	simm.s32 $0x1  }
0x2: {  	[smem:$0x3F8F] =	sst lr;
	_ =	strace $0xD0000000  }
0x3: {  	_ = 	snop  }
0x4: {  	_ = 	snop  }
0x5: {  	_ = 	snop  }
0x6: {  	_ = 	snop  }
0x7: {  	_ = 	snop  }
__scs_overlays_trampoline_lowered:
0x8: {  	[smem:$0x3F9E] =	sst s0  }
0x9: {  	[smem:$0x3F9F] =	sst s1  }
0xa: {  	[smem:$0x3FA0] =	sst s2  }
0xb: {  	[smem:$0x3FA1] =	sst s3  }
0xc: {  	[smem:$0x3FA2] =	sst s4  }
0xd: {  	[smem:$0x3FA3] =	sst s5  }
0xe: {  	[smem:$0x3FA4] =	sst s6  }
0xf: {  	[smem:$0x3FA5] =	sst s7  }
0x10: {  	[smem:$0x3FA6] =	sst s8  }
0x11: {  	[smem:$0x3FA7] =	sst s9;
	s0 =	simm.s32 @!p0 $0x0  }
0x12: {  	s1 =	sld [smem:$0x3F8D];
	s0 =	simm.s32 @p0 $0x1  }
0x13: {  	[smem:$0x3FA8] =	sst s0;
	s0 =	simm.s32 @!p1 $0x0  }
0x14: {  	s2 =	sld [smem:$0x3F8C];
	s0 =	simm.s32 @p1 $0x1  }
0x15: {  	[smem:$0x3FA9] =	sst s0;
	s0 =	simm.s32 @!p2 $0x0  }
0x16: {  	s3 =	sld [smem:$0x3FDB];
	s0 =	simm.s32 @p2 $0x1  }
0x17: {  	s4 =	simm.s32 $0x1BF5;
	[smem:$0x3FAB] =	sst s0  }
0x18: {  	s0 =	sld [smem:$0x3F8E];
	_ =	swait.ge [sflag:s4], $0x0  }
0x19: {  	s7 =	sld [smem:$0x3F8F]  }
0x1a: {  	s8 =	sadd.s32 $0xFFFFE003, lr  }
0x1b: {  	s9 =	sadd.s32 $0xFFFFFEF7, lr;
	s5 =	simm.s32 $0xFFFFFFFF;
	p2 =	slt.u32 s8, $0xFFFFF086  }
0x1c: {  	p1 =	slt.u32 s9, $0xF7A;
	s5 =	simm.s32 @!p2 $0x0  }
0x1d: {  	s5 =	simm.s32 @p1 $0x1;
	p0 =	seq.s32 s7, s2  }
0x1e: {  	s7 =	smul.u32 @!p0 $0xF7A, s2;
	p2 =	seq.s32 @!p0 s5, $0x0  }
0x1f: {  	s9 =	smul.u32 $0xF7A, s1;
	s8 =	simm.s32 @!p0 $0x1BF5;
	p2 =	por !p2, p0  }
0x20: {  	[sflag:s8] =	ssyncset.s32 @!p0 $0xFFFFF086;
	s6 =	sadd.s32 @!p0 s3, s7;
	s7 =	simm.s32 @!p0 $0x108  }
0x21: {  	s3 =	sadd.s32 s3, s9;
	s6 =	sadd.s32 @!p0 $0x88, s6;
	s7 =	simm.s32 @p2 $0x1082  }
0x22: {  	[simem:s7], [sflag:s8] =	dma.local @!p0 [hbm:s6], $0xF7A  }
0x23: {  	s9 =	sor.u32 $0xD0000000, s2;
	s6 =	simm.s32 $0x108;
	_ =	swait.ge @!p0 [sflag:s8], $0x0  }
0x24: {  	s3 =	sadd.s32 $0x88, s3;
	s6 =	simm.s32 @!p1 $0x1082;
	[sflag:s4] =	ssyncset.s32 $0xFFFFF086  }
0x25: {  	[simem:s6], [sflag:s4] =	dma.local [hbm:s3], $0xF7A  }
0x26: {  	[smem:$0x3F8F] =	sst s1;
	(tag) =	ssettag s2;
	_ =	strace s9  }
0x27: {  	s1 =	sld [smem:$0x3F9F]  }
0x28: {  	s2 =	sld [smem:$0x3FA0]  }
0x29: {  	s4 =	sld [smem:$0x3FA2]  }
0x2a: {  	p0 =	seq.s32 s5, $0x0;
	s5 =	sld [smem:$0x3FA3]  }
0x2b: {  	s6 =	sld [smem:$0x3FA4]  }
0x2c: {  	s7 =	sld [smem:$0x3FA5]  }
0x2d: {  	s3 =	simm.s32 $0x108;
	s8 =	sld [smem:$0x3FA6]  }
0x2e: {  	s3 =	simm.s32 @!p0 $0x1082;
	s9 =	sld [smem:$0x3FA7]  }
0x2f: {  	lr =	sadd.s32 s0, s3;
	s0 =	sld [smem:$0x3F9E]  }
0x30: {  	s3 =	sld [smem:$0x3FA1]  }
0x31: {  	[smem:$0x3FAA] =	sst s10  }
0x32: {  	s10 =	sld [smem:$0x3FA8];
	_ =	sdelay $0x3  }
0x33: {  	p0 =	seq.s32 s10, $0x1;
	s10 =	sld [smem:$0x3FAA];
	_ =	sdelay $0x3  }
0x34: {  	[smem:$0x3FAA] =	sst s10  }
0x35: {  	s10 =	sld [smem:$0x3FA9];
	_ =	sdelay $0x3  }
0x36: {  	p1 =	seq.s32 s10, $0x1;
	s10 =	sld [smem:$0x3FAA];
	_ =	sdelay $0x3  }
0x37: {  	[smem:$0x3FAA] =	sst s10  }
0x38: {  	s10 =	sld [smem:$0x3FAB]  }
0x39: {  	_ = 	snop;
	(pc) =	sbr.ind lr, $3  }
0x3a: {  	_ = 	snop  }
0x3b: {  	_ = 	snop  }
0x3c: {  	p2 =	seq.s32 s10, $0x1;
	s10 =	sld [smem:$0x3FAA]  }
0x3d: {  	_ =	shalt  }
0x3e: {  	_ =	shalt  }
0x3f: {  	_ =	shalt  }
0x40: {  	_ =	shalt  }
0x41: {  	_ =	shalt  }
0x42: {  	_ =	shalt  }
0x43: {  	_ =	shalt  }
0x44: {  	_ =	shalt  }
0x45: {  	_ =	shalt  }
0x46: {  	_ =	shalt  }
0x47: {  	_ =	shalt  }
0x48: {  	_ =	shalt  }
0x49: {  	_ =	shalt  }
0x4a: {  	_ =	shalt  }
0x4b: {  	_ =	shalt  }
0x4c: {  	_ =	shalt  }
0x4d: {  	_ =	shalt  }
0x4e: {  	_ =	shalt  }
0x4f: {  	_ =	shalt  }
0x50: {  	_ =	shalt  }
0x51: {  	_ =	shalt  }
0x52: {  	_ =	shalt  }
0x53: {  	_ =	shalt  }
0x54: {  	_ =	shalt  }
0x55: {  	_ =	shalt  }
0x56: {  	_ =	shalt  }
0x57: {  	_ =	shalt  }
0x58: {  	_ =	shalt  }
0x59: {  	_ =	shalt  }
0x5a: {  	_ =	shalt  }
0x5b: {  	_ =	shalt  }
0x5c: {  	_ =	shalt  }
0x5d: {  	_ =	shalt  }
0x5e: {  	_ =	shalt  }
0x5f: {  	_ =	shalt  }
0x60: {  	_ =	shalt  }
0x61: {  	_ =	shalt  }
0x62: {  	_ =	shalt  }
0x63: {  	_ =	shalt  }
0x64: {  	_ =	shalt  }
0x65: {  	_ =	shalt  }
0x66: {  	_ =	shalt  }
0x67: {  	_ =	shalt  }
0x68: {  	_ =	shalt  }
0x69: {  	_ =	shalt  }
0x6a: {  	_ =	shalt  }
0x6b: {  	_ =	shalt  }
0x6c: {  	_ =	shalt  }
0x6d: {  	_ =	shalt  }
0x6e: {  	_ =	shalt  }
0x6f: {  	_ =	shalt  }
0x70: {  	_ =	shalt  }
0x71: {  	_ =	shalt  }
0x72: {  	_ =	shalt  }
0x73: {  	_ =	shalt  }
0x74: {  	_ =	shalt  }
0x75: {  	_ =	shalt  }
0x76: {  	_ =	shalt  }
0x77: {  	_ =	shalt  }
0x78: {  	_ =	shalt  }
0x79: {  	_ =	shalt  }
0x7a: {  	_ =	shalt  }
0x7b: {  	_ =	shalt  }
0x7c: {  	_ =	shalt  }
0x7d: {  	_ =	shalt  }
0x7e: {  	_ =	shalt  }
0x7f: {  	_ =	shalt  }
0x80: {  	_ =	shalt  }
0x81: {  	_ =	shalt  }
0x82: {  	_ =	shalt  }
0x83: {  	_ =	shalt  }
0x84: {  	_ =	shalt  }
0x85: {  	_ =	shalt  }
0x86: {  	_ =	shalt  }
0x87: {  	_ =	shalt  }
.Lfunc_end0:
.L_simem_size_0:
called_computation_lowered:
.L_overlay_start_0:
0x88: {  	s2 =	sld [smem:$0x3FD9]  }
0x89: {  	s3 =	sld [smem:$0x3FFE];
	_ =	sdelay $0x1  }
0x8a: {  	s1 =	srdreg.scid  }
0x8b: {  	s0 =	sand.u32 $0x1, s1  }
0x8c: {  	s14 =	sshll.u32 s0, $0xA;
	s2 =	sadd.s32 s3, s2  }
0x8d: {  	s2 =	sadd.s32 s2, s14  }
0x8e: {  	[smem:$0x3FB6] =	sst s2  }
0x8f: {  	_ = 	snop  }
0x90: {  	s2 =	sld [smem:$0x3FD0];
	_ =	sdelay $0x2  }
0x91: {  	s15 =	simm.s32 $0xA;
	s4 =	simm.s32 $0x10  }
0x92: {  	[smem:s4], [sflag:s15] =	dma.local [hbm:s2], $0x1  }
0x93: {  	_ =	swait.eq [sflag:s15], $0x1  }
0x94: {  	[sflag:s15] =	ssyncset.done $0x0  }
0x95: {  	[sflag:s15] =	ssyncadd.s32 $0xFFFFFFFF  }
0x96: {  	s16 =	sld [smem:$0x11];
	(tm) =	ssettm $0x1  }
0x97: {  	s17 =	sld [smem:$0x3FFB];
	_ =	sdelay $0x3  }
0x98: {  	_ =	strace s17  }
0x99: {  	s3 =	sld [smem:$0x3FFC];
	_ =	sdelay $0x3  }
0x9a: {  	_ =	strace s3  }
0x9b: {  	s3 =	sld [smem:$0x3FFD];
	_ =	sdelay $0x3  }
0x9c: {  	_ =	strace s3  }
0x9d: {  	_ =	strace $0x8FFFFFFF  }
0x9e: {  	s18 =	sld [smem:$0x3FDB];
	_ =	sdelay $0x1  }
0x9f: {  	s19 =	simm.s32 $_scs_section_size  }
0xa0: {  	s5 =	simm.s32 $_size__tile_overlayer_lowered;
	s6 =	simm.s32 $_tile_overlayer_lowered  }
0xa1: {  	s22 =	simm.s32 $0x1BFF;
	s21 =	sshll.u32 s6, $0x1;
	s3 =	sadd.s32 s19, s18  }
0xa2: {  	s7 =	simm.s32 $0x0;
	s20 =	sshll.u32 s5, $0x1;
	s5 =	sadd.s32 s21, s3  }
0xa3: {  	[timem:s7], [sflag:s22] =	dma.local [hbm:s5], s20  }
0xa4: {  	_ =	swait.ge [sflag:s22], s20  }
0xa5: {  	s4 =	ssub.s32 $0x0, s20;
	[sflag:s22] =	ssyncset.done $0x0  }
0xa6: {  	[sflag:s22] =	ssyncadd.s32 s4;
	_ =	sdelay $0x1  }
0xa7: {  	s23 =	simm.s32 $0x1B8B  }
0xa8: {  	_ =	swait.ge [sflag:s23], $0x1  }
0xa9: {  	[sflag:s23] =	ssyncset.done $0x0  }
0xaa: {  	s25 =	simm.s32 $0x1B8E;
	s24 =	sld [smem:$0x3FFE];
	[sflag:s23] =	ssyncadd.s32 $0xFFFFFFFF  }
0xab: {  	s26 =	simm.s32 $execute0_lowered;
	[smem:$0x3FD2] =	sst s25  }
0xac: {  	s5 =	sshll.u32 s26, $0x1;
	_ =	strace $0x80000046;
	[dreg:$0x1] =	wrdreg $0xFFFFFFFF  }
0xad: {  	s28 =	simm.s32 $_size_execute0_lowered;
	s3 =	sadd.s32 s3, s5;
	[dreg:$0x0] =	wrdreg $0x0  }
0xae: {  	s5 =	sshll.u32 s28, $0x1;
	[dreg:$0x2] =	wrdreg s3  }
0xaf: {  	[dreg:$0x3] =	wrdreg s5  }
0xb0: {  	[dreg:$0x4] =	wrdreg $0xC0  }
0xb1: {  	_ =	task [dreg:s7], $0x5FFFF  }
0xb2: {  	[dreg:$0x1] =	wrdreg $0xFFFFFFFF  }
0xb3: {  	[dreg:$0x0] =	wrdreg $0x60  }
0xb4: {  	[dreg:$0x2] =	wrdreg s24  }
0xb5: {  	[dreg:$0x3] =	wrdreg s16  }
0xb6: {  	[dreg:$0x4] =	wrdreg $0x0  }
0xb7: {  	[dreg:$0x5] =	wrdreg $0x28000  }
0xb8: {  	[dreg:$0x6] =	wrdreg $0x9  }
0xb9: {  	_ =	task.clear_ibuf [dreg:s7], $0x7FFFF;
	_ =	strace $0x90000046  }
0xba: {  	s29 =	simm.s32 $0x9;
	_ =	strace $0x80000048  }
0xbb: {  	_ =	swait.ge [sflag:s29], $0x1  }
0xbc: {  	[sflag:s29] =	ssyncadd.s32 $0xFFFFFFFF  }
0xbd: {  	_ =	strace $0x90000048  }
0xbe: {  	_ =	sfence  }
0xbf: {  	s30 =	sld [smem:$0x0];
	_ =	sdelay $0x2  }
0xc0: {  	s31 =	sshll.u32 s1, $0xD;
	s1 =	sshrl.u32 s1, $0x2  }
0xc1: {  	s3 =	sand.u32 $0x4000, s31;
	s1 =	sadd.s32 s1, s30  }
0xc2: {  	s0 =	sor.u32 s3, s0;
	s1 =	sshll.u32 s1, $0x11  }
0xc3: {  	s0 =	sor.u32 s1, s0  }
0xc4: {  	s0 =	sadd.s32 $0x8F2B, s0  }
0xc5: {  	[sflag:s0] =	ssyncadd.remote.s32 $0x1  }
0xc6: {  	_ =	sfence.sel $0xFFFF  }
0xc7: {  	[dreg:$0x0] =	wrdreg $0xFFFFFFFF;
	(pc) =	sbr.abs _section_cstart, $3  }
0xc8: {  	[dreg:$0x1] =	wrdreg $0xFFFFFFFF  }
0xc9: {  	_ =	task.clear_ibuf [dreg:s7], $0x2FFFF;
	_ =	strace $0x9FFFFFFF  }
0xca: {  	(tm) =	ssettm $0x7FFFFFFF  }
0xcb: {  	_ =	shalt  }
tec
execute0_lowered:
.L_overlay_start_1:
0x0: {  	(tag) =	ssettag $0x1  }
0x1: {  	s0 =	rddreg [dreg:$0x0]  }
0x2: {  	s3 =	rddreg [dreg:$0x2]  }
0x3: {  	s4 =	rddreg [dreg:$0x3]  }
0x4: {  	s1 =	stileid.u32;
	s2 =	srdreg.scid;
	s5 =	simm.s32 $0x0  }
0x5: {  	s24 =	simm.s32 $0x1;
	s28 =	simm.s32 $0xB880;
	s6 =	smul.u32 $0x280, s1  }
0x6: {  	s29 =	simm.s32 $0x50;
	s30 =	simm.s32 $0x5000;
	s8 =	smul.u32 $0x9C4, s1  }
0x7: {  	s2 =	sand.u32 $0x1, s2;
	[smem:$0x7FF] =	sst s5;
	s12 =	smul.u32 $0x14000, s1  }
0x8: {  	s31 =	simm.s32 $0xB900;
	s7 =	smul.u32 $0x2800, s2;
	_ =	strace $0x80000047  }
0x9: {  	s25 =	ssub.s32 $0x2, s2;
	p0 =	seq.s32 s2, $0x1;
	s22 =	sadd.s32 s8, s0  }
0xa: {  	s26 =	sshrl.u32 s25, $0x1;
	s9 =	sadd.s32 $0x4000, s12;
	s11 =	sadd.s32 $0x8000, s12  }
0xb: {  	s13 =	sadd.s32 $0xC000, s12;
	s15 =	sadd.s32 $0x10000, s12;
	s6 =	sadd.s32 s6, s7  }
0xc: {  	s18 =	ssub.s32 s25, s26;
	s7 =	sadd.s32 s12, s4;
	s8 =	sadd.s32 s9, s3  }
0xd: {  	s9 =	sadd.s32 s9, s4;
	s10 =	sadd.s32 s11, s3;
	s11 =	sadd.s32 s11, s4  }
0xe: {  	s14 =	sadd.s32 s15, s3;
	s15 =	sadd.s32 s15, s4;
	s19 =	sadd.s32 $0x20C00, s22  }
.Ltmp0:
0xf: {  	s20 =	sadd.s32 $0x16E00, s22;
	s21 =	sadd.s32 $0x3200, s22;
	(pc) =	sbr.rel .LBB2_1-.Ltmp0, $4  }
0x10: {  	s22 =	sadd.s32 $0xD000, s22;
	s25 =	simm.s32 $0x7800;
	s6 =	sshll.u32 s6, $0x4  }
0x11: {  	s26 =	simm.s32 $0xB800;
	s18 =	smax.u32 s18, $0x1;
	s0 =	sadd.s32 s6, s0  }
0x12: {  	v0 =	vimm.f32 $0.0e+00;
	vm0 =	vcmask $0x300;
	s6 =	sadd.s32 s12, s3;
	s12 =	sadd.s32 s13, s3;
	s13 =	sadd.s32 s13, s4  }
0x13: {  	v1 =	vsel vm0, $0x3F800000, v0;
	s16 =	sadd.s32 $0x2AA00, s0;
	s17 =	sadd.s32 $0x7AA00, s0;
	s0 =	simm.s32 $0x0  }
.LBB2_8:
0x14: {  	[tilespmem:$0xB900] =	vst v3  }
0x15: {  	[spmem:s3] =	stream.indirect.scatter.add.f32 [tilespmem:s30], [sflag:$0x1], $0x10, s28, s29, $0xb8;
	[tilespmem:$0xBA00] =	vst v63  }
0x16: {  	_ =	swait.ge [sflag:s24], $0x500  }
0x17: {  	[sflag:s24] =	ssyncset.done $0x0  }
0x18: {  	[sflag:s24] =	ssyncadd.s32 $0xFFFFFB00  }
0x19: {  	[spmem:s4] =	stream.indirect.scatter.add.f32 [tilespmem:s30], [sflag:$0x1], $0x10, s31, s29, $0xb8;
	[tilespmem:$0xBA00] =	vst v63  }
0x1a: {  	_ =	swait.ge [sflag:s24], $0x500  }
0x1b: {  	[sflag:s24] =	ssyncset.done $0x0  }
0x1c: {  	[sflag:s24] =	ssyncadd.s32 $0xFFFFFB00  }
.LBB2_12:
0x1d: {  	s1 =	stileid.u32  }
0x1e: {  	s1 =	sshll.u32 s1, $0x6  }
0x1f: {  	[bflag:$0x0] =	sbarrier.arrive $0xFFFF;
	s2 =	sshrl.u32 s6, $0x3;
	s1 =	sor.u32 $0x1C01, s1  }
0x20: {  	[hbm:s16], [sflag:s1] =	dma.local [spmem:s2], $0x2800  }
0x21: {  	s0 =	sadd.s32 $0x1, s0;
	_ =	swait.ge [sflag:s24], $0x2800  }
0x22: {  	p1 =	sne.s32 s0, s18;
	[sflag:s24] =	ssyncset.done $0x0  }
.Ltmp1:
0x23: {  	s23 =	sshrl.u32 s7, $0x3;
	[sflag:s24] =	ssyncadd.s32 $0xFFFFD800;
	(pc) =	sbr.rel @!p1 .LBB2_13-.Ltmp1, $4  }
0x24: {  	[hbm:s17], [sflag:s1] =	dma.local [spmem:s23], $0x2800  }
0x25: {  	_ =	swait.ge [sflag:s24], $0x2800  }
0x26: {  	[sflag:s24] =	ssyncset.done $0x0  }
0x27: {  	[sflag:s24] =	ssyncadd.s32 $0xFFFFD800  }
.LBB2_1:
0x28: {  	s1 =	rddreg [dreg:$0x1];
	s2 =	simm.s32 $0xB980  }
0x29: {  	[tilespmem:s2], [sflag:$0x1] =	stream.linear.gather [hbm4b:s1+s5], $0x80, $0x38;
	[tilespmem:$0xBA00] =	vst v63  }
0x2a: {  	_ =	swait.ge [sflag:s24], $0x80  }
0x2b: {  	[sflag:s24] =	ssyncset.done $0x0  }
0x2c: {  	s2 =	simm.s32 $0x0;
	[sflag:s24] =	ssyncadd.s32 $0xFFFFFF80  }
.LBB2_2:
0x2d: {  	p1 =	sne.s32 s2, $0xFE00  }
.Ltmp2:
0x2e: {  	_ = 	snop;
	(pc) =	sbr.rel @p1 .LBB2_2-.Ltmp2, $3  }
0x2f: {  	_ =	sdelay $0x1  }
0x30: {  	s23 =	sshra.s32 s2, $0x2  }
0x31: {  	s2 =	sadd.s32 $0x200, s2;
	[tilespmem:s23+$0x7800] =	vst v0  }
0x32: {  	s2 =	simm.s32 $0x200;
	s23 =	simm.s32 $0x0  }
.LBB2_4:
0x33: {  	p1 =	sne.s32 s2, $0x9E00;
	[tilespmem:s23+$0x5000] =	vst v1;
	s23 =	smov.u32 s2;
	s2 =	sadd.s32 $0x200, s2  }
.Ltmp3:
0x34: {  	(pc) =	sbr.rel @p1 .LBB2_4-.Ltmp3, $2  }
0x35: {  	_ =	sdelay $0x2  }
0x36: {  	s23 =	sshra.s32 s23, $0x2  }
0x37: {  	[tilespmem:s23+$0x5000] =	vst v1  }
0x38: {  	[spmem:s6] =	stream.linear.scatter [tilespmem:s25], [sflag:$0x1], $0x4000, $0x38;
	[tilespmem:$0xBA00] =	vst v63  }
0x39: {  	_ =	swait.ge [sflag:s24], $0x4000  }
0x3a: {  	[sflag:s24] =	ssyncset.done $0x0  }
0x3b: {  	[sflag:s24] =	ssyncadd.s32 $0xFFFFC000  }
0x3c: {  	[spmem:s7] =	stream.linear.scatter [tilespmem:s25], [sflag:$0x1], $0x4000, $0x38;
	[tilespmem:$0xBA00] =	vst v63  }
0x3d: {  	_ =	swait.ge [sflag:s24], $0x4000  }
0x3e: {  	[sflag:s24] =	ssyncset.done $0x0  }
0x3f: {  	[sflag:s24] =	ssyncadd.s32 $0xFFFFC000  }
0x40: {  	[spmem:s8] =	stream.linear.scatter [tilespmem:s25], [sflag:$0x1], $0x4000, $0x38;
	[tilespmem:$0xBA00] =	vst v63  }
0x41: {  	_ =	swait.ge [sflag:s24], $0x4000  }
0x42: {  	[sflag:s24] =	ssyncset.done $0x0  }
0x43: {  	[sflag:s24] =	ssyncadd.s32 $0xFFFFC000  }
0x44: {  	[spmem:s9] =	stream.linear.scatter [tilespmem:s25], [sflag:$0x1], $0x4000, $0x38;
	[tilespmem:$0xBA00] =	vst v63  }
0x45: {  	_ =	swait.ge [sflag:s24], $0x4000  }
0x46: {  	[sflag:s24] =	ssyncset.done $0x0  }
0x47: {  	[sflag:s24] =	ssyncadd.s32 $0xFFFFC000  }
0x48: {  	[spmem:s10] =	stream.linear.scatter [tilespmem:s25], [sflag:$0x1], $0x4000, $0x38;
	[tilespmem:$0xBA00] =	vst v63  }
0x49: {  	_ =	swait.ge [sflag:s24], $0x4000  }
0x4a: {  	[sflag:s24] =	ssyncset.done $0x0  }
0x4b: {  	[sflag:s24] =	ssyncadd.s32 $0xFFFFC000  }
0x4c: {  	[spmem:s11] =	stream.linear.scatter [tilespmem:s25], [sflag:$0x1], $0x4000, $0x38;
	[tilespmem:$0xBA00] =	vst v63  }
0x4d: {  	_ =	swait.ge [sflag:s24], $0x4000  }
0x4e: {  	[sflag:s24] =	ssyncset.done $0x0  }
0x4f: {  	[sflag:s24] =	ssyncadd.s32 $0xFFFFC000  }
0x50: {  	[spmem:s12] =	stream.linear.scatter [tilespmem:s25], [sflag:$0x1], $0x4000, $0x38;
	[tilespmem:$0xBA00] =	vst v63  }
0x51: {  	_ =	swait.ge [sflag:s24], $0x4000  }
0x52: {  	[sflag:s24] =	ssyncset.done $0x0  }
0x53: {  	[sflag:s24] =	ssyncadd.s32 $0xFFFFC000  }
0x54: {  	[spmem:s13] =	stream.linear.scatter [tilespmem:s25], [sflag:$0x1], $0x4000, $0x38;
	[tilespmem:$0xBA00] =	vst v63  }
0x55: {  	_ =	swait.ge [sflag:s24], $0x4000  }
0x56: {  	[sflag:s24] =	ssyncset.done $0x0  }
0x57: {  	[sflag:s24] =	ssyncadd.s32 $0xFFFFC000  }
0x58: {  	[spmem:s14] =	stream.linear.scatter [tilespmem:s25], [sflag:$0x1], $0x4000, $0x38;
	[tilespmem:$0xBA00] =	vst v63  }
0x59: {  	_ =	swait.ge [sflag:s24], $0x4000  }
0x5a: {  	[sflag:s24] =	ssyncset.done $0x0  }
0x5b: {  	[sflag:s24] =	ssyncadd.s32 $0xFFFFC000  }
0x5c: {  	[spmem:s15] =	stream.linear.scatter [tilespmem:s25], [sflag:$0x1], $0x4000, $0x38;
	[tilespmem:$0xBA00] =	vst v63  }
.Ltmp4:
0x5d: {  	_ =	swait.ge [sflag:s24], $0x4000;
	(pc) =	sbr.rel @!p0 .LBB2_6-.Ltmp4, $4  }
0x5e: {  	[sflag:s24] =	ssyncset.done $0x0  }
0x5f: {  	[sflag:s24] =	ssyncadd.s32 $0xFFFFC000  }
0x60: {  	[bflag:$0x0] =	sbarrier.arrive $0xFFFF  }
0x61: {  	v2 =	vld [tilespmem:$0xB980]  }
0x62: {  	s1 =	sadd.s32 $0x0, s22  }
0x63: {  	[tilespmem:s26], [sflag:$0x1] =	stream.linear.gather [hbm4b:s1+s5], $0x50, $0x38;
	[tilespmem:$0xBA00] =	vst v63  }
0x64: {  	_ =	swait.ge [sflag:s24], $0x50  }
0x65: {  	[sflag:s24] =	ssyncset.done $0x0  }
0x66: {  	s23 =	sadd.s32 $0x0, s21;
	[sflag:s24] =	ssyncadd.s32 $0xFFFFFFB0  }
0x67: {  	[tilespmem:s28], [sflag:$0x1] =	stream.linear.gather [hbm4b:s23+s5], $0x50, $0x38;
	[tilespmem:$0xBA00] =	vst v63  }
0x68: {  	_ =	swait.ge [sflag:s24], $0x50  }
0x69: {  	[sflag:s24] =	ssyncset.done $0x0  }
0x6a: {  	[sflag:s24] =	ssyncadd.s32 $0xFFFFFFB0  }
0x6b: {  	v3 =	vld [tilespmem:$0xB8A0]  }
0x6c: {  	v4 =	vld [tilespmem:$0xB890]  }
0x6d: {  	v5 =	vld [tilespmem:$0xB8B0]  }
0x6e: {  	v6 =	vld [tilespmem:$0xB8C0]  }
0x6f: {  	v7 =	vld [tilespmem:$0xB840]  }
0x70: {  	v8 =	vld [tilespmem:$0xB810]  }
0x71: {  	v9 =	vld [tilespmem:$0xB830]  }
0x72: {  	v10 =	vld [tilespmem:$0xB820]  }
0x73: {  	v11 =	vld [tilespmem:$0xB800]  }
0x74: {  	v12 =	vld [tilespmem:$0xB880];
	vm0 =	veq.s32 v7, v2  }
0x75: {  	vm1 =	veq.s32 v8, v2;
	v6 =	vnsel vm0, $0x27F8, v6  }
0x76: {  	vm13 =	veq.s32 v9, v2;
	v4 =	vnsel vm1, $0x27F8, v4;
	[tilespmem:$0xB940] =	vst v6  }
0x77: {  	vm14 =	veq.s32 v10, v2;
	[tilespmem:$0xB910] =	vst v4;
	v4 =	vnsel vm13, $0x27F8, v5  }
0x78: {  	vm15 =	veq.s32 v11, v2;
	v5 =	vnsel vm14, $0x27F8, v3;
	[tilespmem:$0xB930] =	vst v4  }
0x79: {  	s2 =	simm.s32 $0xA;
	v3 =	vnsel vm15, $0x27F8, v12;
	[tilespmem:$0xB920] =	vst v5  }
.LBB2_10:
0x7a: {  	p1 =	sne.s32 s2, $0x9BA;
	[tilespmem:$0xB900] =	vst v3;
	s1 =	smov.u32 s2;
	s2 =	sadd.s32 $0xA, s2  }
0x7b: {  	[spmem:s3] =	stream.indirect.scatter.add.f32 [tilespmem:s30], [sflag:$0x1], $0x10, s28, s29, $0xb8;
	[tilespmem:$0xBA00] =	vst v63  }
0x7c: {  	_ =	swait.ge [sflag:s24], $0x500  }
0x7d: {  	[sflag:s24] =	ssyncset.done $0x0  }
0x7e: {  	[sflag:s24] =	ssyncadd.s32 $0xFFFFFB00  }
0x7f: {  	[spmem:s4] =	stream.indirect.scatter.add.f32 [tilespmem:s30], [sflag:$0x1], $0x10, s31, s29, $0xb8;
	[tilespmem:$0xBA00] =	vst v63  }
0x80: {  	_ =	swait.ge [sflag:s24], $0x500  }
0x81: {  	[sflag:s24] =	ssyncset.done $0x0  }
0x82: {  	s23 =	sadd.s32 s1, s22;
	[sflag:s24] =	ssyncadd.s32 $0xFFFFFB00  }
0x83: {  	[tilespmem:s26], [sflag:$0x1] =	stream.linear.gather [hbm4b:s23+s5], $0x50, $0x38;
	[tilespmem:$0xBA00] =	vst v63  }
0x84: {  	_ =	swait.ge [sflag:s24], $0x50  }
0x85: {  	[sflag:s24] =	ssyncset.done $0x0  }
0x86: {  	s1 =	sadd.s32 s1, s21;
	[sflag:s24] =	ssyncadd.s32 $0xFFFFFFB0  }
0x87: {  	[tilespmem:s28], [sflag:$0x1] =	stream.linear.gather [hbm4b:s1+s5], $0x50, $0x38;
	[tilespmem:$0xBA00] =	vst v63  }
0x88: {  	_ =	swait.ge [sflag:s24], $0x50  }
0x89: {  	[sflag:s24] =	ssyncset.done $0x0  }
0x8a: {  	[sflag:s24] =	ssyncadd.s32 $0xFFFFFFB0  }
0x8b: {  	v3 =	vld [tilespmem:$0xB8A0]  }
0x8c: {  	v4 =	vld [tilespmem:$0xB890]  }
0x8d: {  	v5 =	vld [tilespmem:$0xB8B0]  }
0x8e: {  	v6 =	vld [tilespmem:$0xB8C0]  }
0x8f: {  	v7 =	vld [tilespmem:$0xB840]  }
0x90: {  	v8 =	vld [tilespmem:$0xB810]  }
0x91: {  	v9 =	vld [tilespmem:$0xB830]  }
0x92: {  	v10 =	vld [tilespmem:$0xB820]  }
0x93: {  	v11 =	vld [tilespmem:$0xB800]  }
0x94: {  	v12 =	vld [tilespmem:$0xB880];
	vm0 =	veq.s32 v7, v2  }
.Ltmp5:
0x95: {  	vm1 =	veq.s32 v8, v2;
	v6 =	vnsel vm0, $0x27F8, v6;
	(pc) =	sbr.rel @p1 .LBB2_10-.Ltmp5, $4  }
0x96: {  	v4 =	vnsel vm1, $0x27F8, v4;
	vm0 =	veq.s32 v9, v2;
	[tilespmem:$0xB940] =	vst v6  }
0x97: {  	[tilespmem:$0xB910] =	vst v4;
	vm1 =	veq.s32 v10, v2;
	v4 =	vnsel vm0, $0x27F8, v5  }
0x98: {  	vm0 =	veq.s32 v11, v2;
	v5 =	vnsel vm1, $0x27F8, v3;
	[tilespmem:$0xB930] =	vst v4  }
0x99: {  	v3 =	vnsel vm0, $0x27F8, v12;
	[tilespmem:$0xB920] =	vst v5  }
0x9a: {  	[tilespmem:$0xB900] =	vst v3  }
0x9b: {  	[spmem:s3] =	stream.indirect.scatter.add.f32 [tilespmem:s30], [sflag:$0x1], $0x10, s28, s29, $0xb8;
	[tilespmem:$0xBA00] =	vst v63  }
0x9c: {  	_ =	swait.ge [sflag:s24], $0x500  }
0x9d: {  	[sflag:s24] =	ssyncset.done $0x0  }
.Ltmp6:
0x9e: {  	[sflag:s24] =	ssyncadd.s32 $0xFFFFFB00;
	(pc) =	sbr.rel .LBB2_12-.Ltmp6, $4  }
0x9f: {  	[spmem:s4] =	stream.indirect.scatter.add.f32 [tilespmem:s30], [sflag:$0x1], $0x10, s31, s29, $0xb8;
	[tilespmem:$0xBA00] =	vst v63  }
0xa0: {  	_ =	swait.ge [sflag:s24], $0x500  }
0xa1: {  	[sflag:s24] =	ssyncset.done $0x0  }
0xa2: {  	[sflag:s24] =	ssyncadd.s32 $0xFFFFFB00  }
.LBB2_6:
0xa3: {  	s2 =	sadd.s32 $0x0, s20  }
0xa4: {  	[tilespmem:s26], [sflag:$0x1] =	stream.linear.gather [hbm4b:s2+s5], $0x50, $0x38;
	[tilespmem:$0xBA00] =	vst v63  }
0xa5: {  	_ =	swait.ge [sflag:s24], $0x50  }
0xa6: {  	[sflag:s24] =	ssyncset.done $0x0  }
0xa7: {  	s23 =	sadd.s32 $0x0, s19;
	[sflag:s24] =	ssyncadd.s32 $0xFFFFFFB0  }
0xa8: {  	[tilespmem:s28], [sflag:$0x1] =	stream.linear.gather [hbm4b:s23+s5], $0x50, $0x38;
	[tilespmem:$0xBA00] =	vst v63  }
0xa9: {  	_ =	swait.ge [sflag:s24], $0x50  }
0xaa: {  	[sflag:s24] =	ssyncset.done $0x0  }
0xab: {  	[sflag:s24] =	ssyncadd.s32 $0xFFFFFFB0  }
0xac: {  	v3 =	vld [tilespmem:$0xB8A0]  }
0xad: {  	v4 =	vld [tilespmem:$0xB890]  }
0xae: {  	v5 =	vld [tilespmem:$0xB8B0]  }
0xaf: {  	v6 =	vld [tilespmem:$0xB8C0]  }
0xb0: {  	v7 =	vld [tilespmem:$0xB840]  }
0xb1: {  	v8 =	vld [tilespmem:$0xB810]  }
0xb2: {  	v9 =	vld [tilespmem:$0xB830]  }
0xb3: {  	v10 =	vld [tilespmem:$0xB820]  }
0xb4: {  	v11 =	vld [tilespmem:$0xB800]  }
0xb5: {  	v12 =	vld [tilespmem:$0xB880];
	vm0 =	veq.s32 v7, v2  }
0xb6: {  	vm1 =	veq.s32 v8, v2;
	v6 =	vnsel vm0, $0x27F8, v6  }
0xb7: {  	vm13 =	veq.s32 v9, v2;
	v4 =	vnsel vm1, $0x27F8, v4;
	[tilespmem:$0xB940] =	vst v6  }
0xb8: {  	vm14 =	veq.s32 v10, v2;
	[tilespmem:$0xB910] =	vst v4;
	v4 =	vnsel vm13, $0x27F8, v5  }
0xb9: {  	vm15 =	veq.s32 v11, v2;
	v5 =	vnsel vm14, $0x27F8, v3;
	[tilespmem:$0xB930] =	vst v4  }
0xba: {  	s2 =	simm.s32 $0xA;
	v3 =	vnsel vm15, $0x27F8, v12;
	[tilespmem:$0xB920] =	vst v5  }
.LBB2_7:
0xbb: {  	p1 =	seq.s32 s2, $0x9BA;
	[tilespmem:$0xB900] =	vst v3;
	s23 =	smov.u32 s2;
	s2 =	sadd.s32 $0xA, s2  }
0xbc: {  	[spmem:s3] =	stream.indirect.scatter.add.f32 [tilespmem:s30], [sflag:$0x1], $0x10, s28, s29, $0xb8;
	[tilespmem:$0xBA00] =	vst v63  }
0xbd: {  	_ =	swait.ge [sflag:s24], $0x500  }
0xbe: {  	[sflag:s24] =	ssyncset.done $0x0  }
0xbf: {  	[sflag:s24] =	ssyncadd.s32 $0xFFFFFB00  }
0xc0: {  	[spmem:s4] =	stream.indirect.scatter.add.f32 [tilespmem:s30], [sflag:$0x1], $0x10, s31, s29, $0xb8;
	[tilespmem:$0xBA00] =	vst v63  }
0xc1: {  	_ =	swait.ge [sflag:s24], $0x500  }
0xc2: {  	[sflag:s24] =	ssyncset.done $0x0  }
0xc3: {  	s1 =	sadd.s32 s23, s20;
	[sflag:s24] =	ssyncadd.s32 $0xFFFFFB00  }
0xc4: {  	[tilespmem:s26], [sflag:$0x1] =	stream.linear.gather [hbm4b:s1+s5], $0x50, $0x38;
	[tilespmem:$0xBA00] =	vst v63  }
0xc5: {  	_ =	swait.ge [sflag:s24], $0x50  }
0xc6: {  	[sflag:s24] =	ssyncset.done $0x0  }
0xc7: {  	s1 =	sadd.s32 s23, s19;
	[sflag:s24] =	ssyncadd.s32 $0xFFFFFFB0  }
0xc8: {  	[tilespmem:s28], [sflag:$0x1] =	stream.linear.gather [hbm4b:s1+s5], $0x50, $0x38;
	[tilespmem:$0xBA00] =	vst v63  }
0xc9: {  	_ =	swait.ge [sflag:s24], $0x50  }
0xca: {  	[sflag:s24] =	ssyncset.done $0x0  }
0xcb: {  	[sflag:s24] =	ssyncadd.s32 $0xFFFFFFB0  }
0xcc: {  	v3 =	vld [tilespmem:$0xB8A0]  }
0xcd: {  	v4 =	vld [tilespmem:$0xB890]  }
0xce: {  	v5 =	vld [tilespmem:$0xB8B0]  }
0xcf: {  	v6 =	vld [tilespmem:$0xB8C0]  }
0xd0: {  	v7 =	vld [tilespmem:$0xB840]  }
0xd1: {  	v8 =	vld [tilespmem:$0xB810]  }
0xd2: {  	v9 =	vld [tilespmem:$0xB830]  }
0xd3: {  	v10 =	vld [tilespmem:$0xB820]  }
0xd4: {  	v11 =	vld [tilespmem:$0xB800]  }
0xd5: {  	v12 =	vld [tilespmem:$0xB880];
	vm0 =	veq.s32 v7, v2  }
.Ltmp7:
0xd6: {  	vm1 =	veq.s32 v8, v2;
	v6 =	vnsel vm0, $0x27F8, v6;
	(pc) =	sbr.rel @!p1 .LBB2_7-.Ltmp7, $4  }
0xd7: {  	v4 =	vnsel vm1, $0x27F8, v4;
	vm0 =	veq.s32 v9, v2;
	[tilespmem:$0xB940] =	vst v6  }
0xd8: {  	[tilespmem:$0xB910] =	vst v4;
	vm1 =	veq.s32 v10, v2;
	v4 =	vnsel vm0, $0x27F8, v5  }
0xd9: {  	vm0 =	veq.s32 v11, v2;
	v5 =	vnsel vm1, $0x27F8, v3;
	[tilespmem:$0xB930] =	vst v4  }
0xda: {  	v3 =	vnsel vm0, $0x27F8, v12;
	[tilespmem:$0xB920] =	vst v5  }
.Ltmp8:
0xdb: {  	_ = 	snop;
	(pc) =	sbr.rel .LBB2_8-.Ltmp8, $1  }
0xdc: {  	_ =	sdelay $0x3  }
.LBB2_13:
0xdd: {  	_ =	sfence.sel $0x180000  }
0xde: {  	[bflag:$0x0] =	sbarrier.arrive $0xFFFF  }
0xdf: {  	_ =	strace $0x90000047  }
0xe0: {  	s0 =	stileid.u32;
	[bflag:$0x2] =	sbarrier.arrive $0xFFFF  }
0xe1: {  	p0 =	sne.s32 s0, $0x0;
	s0 =	rddreg [dreg:$0x4]  }
0xe2: {  	s0 =	sadd.s32 @!p0 $0x100000, s0  }
0xe3: {  	[sflag:s0] =	ssyncadd.tile.s32 @!p0 $0x1;
	_ =	shalt  }
.Lfunc_end2:
_tile_overlayer_lowered:
.L_overlay_start_2:
0xe4: {  	(tag) =	ssettag $0x2  }
0xe5: {  	s0 =	rddreg [dreg:$0x0];
	s2 =	stileid.u32  }
0xe6: {  	s1 =	rddreg [dreg:$0x1];
	p0 =	sne.s32 s2, $0x0  }
0xe7: {  	s3 =	rddreg [dreg:$0x2];
	[bflag:$0x3] =	sbarrier.arrive $0xFFFF;
	s2 =	simm.s32 @!p0 $0x1C01  }
0xe8: {  	[timem:s3], [sflag:s2] =	dma.local @!p0 [hbm:s0], s1  }
0xe9: {  	s0 =	simm.s32 @!p0 $0x1  }
0xea: {  	_ =	swait.ge @!p0 [sflag:s0], s1  }
0xeb: {  	s1 =	ssub.s32 @!p0 $0x0, s1;
	[sflag:s0] =	ssyncset.done @!p0 $0x0  }
0xec: {  	[sflag:s0] =	ssyncadd.s32 @!p0 s1  }
0xed: {  	[bflag:$0x3] =	sbarrier.arrive $0xFFFF  }
0xee: {  	_ =	shalt  }

// kernel: kernel.9.cloned.1.call-start
scs
__scs_entry_jumppad:
0x0: {  	(pc) =	sbr.rel $0x88, $3  }
0x1: {  	(tag) =	ssettag $0x0;
	lr =	simm.s32 $0x1  }
0x2: {  	[smem:$0x3F8F] =	sst lr;
	_ =	strace $0xD0000000  }
0x3: {  	_ = 	snop  }
0x4: {  	_ = 	snop  }
0x5: {  	_ = 	snop  }
0x6: {  	_ = 	snop  }
0x7: {  	_ = 	snop  }
__scs_overlays_trampoline_lowered:
0x8: {  	[smem:$0x3F9E] =	sst s0  }
0x9: {  	[smem:$0x3F9F] =	sst s1  }
0xa: {  	[smem:$0x3FA0] =	sst s2  }
0xb: {  	[smem:$0x3FA1] =	sst s3  }
0xc: {  	[smem:$0x3FA2] =	sst s4  }
0xd: {  	[smem:$0x3FA3] =	sst s5  }
0xe: {  	[smem:$0x3FA4] =	sst s6  }
0xf: {  	[smem:$0x3FA5] =	sst s7  }
0x10: {  	[smem:$0x3FA6] =	sst s8  }
0x11: {  	[smem:$0x3FA7] =	sst s9;
	s0 =	simm.s32 @!p0 $0x0  }
0x12: {  	s1 =	sld [smem:$0x3F8D];
	s0 =	simm.s32 @p0 $0x1  }
0x13: {  	[smem:$0x3FA8] =	sst s0;
	s0 =	simm.s32 @!p1 $0x0  }
0x14: {  	s2 =	sld [smem:$0x3F8C];
	s0 =	simm.s32 @p1 $0x1  }
0x15: {  	[smem:$0x3FA9] =	sst s0;
	s0 =	simm.s32 @!p2 $0x0  }
0x16: {  	s3 =	sld [smem:$0x3FDB];
	s0 =	simm.s32 @p2 $0x1  }
0x17: {  	s4 =	simm.s32 $0x1BF5;
	[smem:$0x3FAB] =	sst s0  }
0x18: {  	s0 =	sld [smem:$0x3F8E];
	_ =	swait.ge [sflag:s4], $0x0  }
0x19: {  	s7 =	sld [smem:$0x3F8F]  }
0x1a: {  	s8 =	sadd.s32 $0xFFFFE003, lr  }
0x1b: {  	s9 =	sadd.s32 $0xFFFFFEF7, lr;
	s5 =	simm.s32 $0xFFFFFFFF;
	p2 =	slt.u32 s8, $0xFFFFF086  }
0x1c: {  	p1 =	slt.u32 s9, $0xF7A;
	s5 =	simm.s32 @!p2 $0x0  }
0x1d: {  	s5 =	simm.s32 @p1 $0x1;
	p0 =	seq.s32 s7, s2  }
0x1e: {  	s7 =	smul.u32 @!p0 $0xF7A, s2;
	p2 =	seq.s32 @!p0 s5, $0x0  }
0x1f: {  	s9 =	smul.u32 $0xF7A, s1;
	s8 =	simm.s32 @!p0 $0x1BF5;
	p2 =	por !p2, p0  }
0x20: {  	[sflag:s8] =	ssyncset.s32 @!p0 $0xFFFFF086;
	s6 =	sadd.s32 @!p0 s3, s7;
	s7 =	simm.s32 @!p0 $0x108  }
0x21: {  	s3 =	sadd.s32 s3, s9;
	s6 =	sadd.s32 @!p0 $0x88, s6;
	s7 =	simm.s32 @p2 $0x1082  }
0x22: {  	[simem:s7], [sflag:s8] =	dma.local @!p0 [hbm:s6], $0xF7A  }
0x23: {  	s9 =	sor.u32 $0xD0000000, s2;
	s6 =	simm.s32 $0x108;
	_ =	swait.ge @!p0 [sflag:s8], $0x0  }
0x24: {  	s3 =	sadd.s32 $0x88, s3;
	s6 =	simm.s32 @!p1 $0x1082;
	[sflag:s4] =	ssyncset.s32 $0xFFFFF086  }
0x25: {  	[simem:s6], [sflag:s4] =	dma.local [hbm:s3], $0xF7A  }
0x26: {  	[smem:$0x3F8F] =	sst s1;
	(tag) =	ssettag s2;
	_ =	strace s9  }
0x27: {  	s1 =	sld [smem:$0x3F9F]  }
0x28: {  	s2 =	sld [smem:$0x3FA0]  }
0x29: {  	s4 =	sld [smem:$0x3FA2]  }
0x2a: {  	p0 =	seq.s32 s5, $0x0;
	s5 =	sld [smem:$0x3FA3]  }
0x2b: {  	s6 =	sld [smem:$0x3FA4]  }
0x2c: {  	s7 =	sld [smem:$0x3FA5]  }
0x2d: {  	s3 =	simm.s32 $0x108;
	s8 =	sld [smem:$0x3FA6]  }
0x2e: {  	s3 =	simm.s32 @!p0 $0x1082;
	s9 =	sld [smem:$0x3FA7]  }
0x2f: {  	lr =	sadd.s32 s0, s3;
	s0 =	sld [smem:$0x3F9E]  }
0x30: {  	s3 =	sld [smem:$0x3FA1]  }
0x31: {  	[smem:$0x3FAA] =	sst s10  }
0x32: {  	s10 =	sld [smem:$0x3FA8];
	_ =	sdelay $0x3  }
0x33: {  	p0 =	seq.s32 s10, $0x1;
	s10 =	sld [smem:$0x3FAA];
	_ =	sdelay $0x3  }
0x34: {  	[smem:$0x3FAA] =	sst s10  }
0x35: {  	s10 =	sld [smem:$0x3FA9];
	_ =	sdelay $0x3  }
0x36: {  	p1 =	seq.s32 s10, $0x1;
	s10 =	sld [smem:$0x3FAA];
	_ =	sdelay $0x3  }
0x37: {  	[smem:$0x3FAA] =	sst s10  }
0x38: {  	s10 =	sld [smem:$0x3FAB]  }
0x39: {  	_ = 	snop;
	(pc) =	sbr.ind lr, $3  }
0x3a: {  	_ = 	snop  }
0x3b: {  	_ = 	snop  }
0x3c: {  	p2 =	seq.s32 s10, $0x1;
	s10 =	sld [smem:$0x3FAA]  }
0x3d: {  	_ =	shalt  }
0x3e: {  	_ =	shalt  }
0x3f: {  	_ =	shalt  }
0x40: {  	_ =	shalt  }
0x41: {  	_ =	shalt  }
0x42: {  	_ =	shalt  }
0x43: {  	_ =	shalt  }
0x44: {  	_ =	shalt  }
0x45: {  	_ =	shalt  }
0x46: {  	_ =	shalt  }
0x47: {  	_ =	shalt  }
0x48: {  	_ =	shalt  }
0x49: {  	_ =	shalt  }
0x4a: {  	_ =	shalt  }
0x4b: {  	_ =	shalt  }
0x4c: {  	_ =	shalt  }
0x4d: {  	_ =	shalt  }
0x4e: {  	_ =	shalt  }
0x4f: {  	_ =	shalt  }
0x50: {  	_ =	shalt  }
0x51: {  	_ =	shalt  }
0x52: {  	_ =	shalt  }
0x53: {  	_ =	shalt  }
0x54: {  	_ =	shalt  }
0x55: {  	_ =	shalt  }
0x56: {  	_ =	shalt  }
0x57: {  	_ =	shalt  }
0x58: {  	_ =	shalt  }
0x59: {  	_ =	shalt  }
0x5a: {  	_ =	shalt  }
0x5b: {  	_ =	shalt  }
0x5c: {  	_ =	shalt  }
0x5d: {  	_ =	shalt  }
0x5e: {  	_ =	shalt  }
0x5f: {  	_ =	shalt  }
0x60: {  	_ =	shalt  }
0x61: {  	_ =	shalt  }
0x62: {  	_ =	shalt  }
0x63: {  	_ =	shalt  }
0x64: {  	_ =	shalt  }
0x65: {  	_ =	shalt  }
0x66: {  	_ =	shalt  }
0x67: {  	_ =	shalt  }
0x68: {  	_ =	shalt  }
0x69: {  	_ =	shalt  }
0x6a: {  	_ =	shalt  }
0x6b: {  	_ =	shalt  }
0x6c: {  	_ =	shalt  }
0x6d: {  	_ =	shalt  }
0x6e: {  	_ =	shalt  }
0x6f: {  	_ =	shalt  }
0x70: {  	_ =	shalt  }
0x71: {  	_ =	shalt  }
0x72: {  	_ =	shalt  }
0x73: {  	_ =	shalt  }
0x74: {  	_ =	shalt  }
0x75: {  	_ =	shalt  }
0x76: {  	_ =	shalt  }
0x77: {  	_ =	shalt  }
0x78: {  	_ =	shalt  }
0x79: {  	_ =	shalt  }
0x7a: {  	_ =	shalt  }
0x7b: {  	_ =	shalt  }
0x7c: {  	_ =	shalt  }
0x7d: {  	_ =	shalt  }
0x7e: {  	_ =	shalt  }
0x7f: {  	_ =	shalt  }
0x80: {  	_ =	shalt  }
0x81: {  	_ =	shalt  }
0x82: {  	_ =	shalt  }
0x83: {  	_ =	shalt  }
0x84: {  	_ =	shalt  }
0x85: {  	_ =	shalt  }
0x86: {  	_ =	shalt  }
0x87: {  	_ =	shalt  }
.Lfunc_end0:
.L_simem_size_0:
called_computation.1_lowered:
.L_overlay_start_0:
0x88: {  	s2 =	sld [smem:$0x3FD9]  }
0x89: {  	s3 =	sld [smem:$0x3FFE];
	_ =	sdelay $0x1  }
0x8a: {  	s1 =	srdreg.scid  }
0x8b: {  	s0 =	sand.u32 $0x1, s1  }
0x8c: {  	s16 =	sshll.u32 s0, $0xA;
	s2 =	sadd.s32 s3, s2  }
0x8d: {  	s2 =	sadd.s32 s2, s16  }
0x8e: {  	[smem:$0x3FB6] =	sst s2  }
0x8f: {  	_ = 	snop  }
0x90: {  	(tm) =	ssettm $0x1  }
0x91: {  	s17 =	sld [smem:$0x3FFB];
	_ =	sdelay $0x3  }
0x92: {  	_ =	strace s17  }
0x93: {  	s2 =	sld [smem:$0x3FFC];
	_ =	sdelay $0x3  }
0x94: {  	_ =	strace s2  }
0x95: {  	s2 =	sld [smem:$0x3FFD];
	_ =	sdelay $0x3  }
0x96: {  	_ =	strace s2  }
0x97: {  	_ =	strace $0x8FFFFFFF  }
0x98: {  	s18 =	sld [smem:$0x3FDB];
	_ =	sdelay $0x1  }
0x99: {  	s19 =	simm.s32 $_scs_section_size  }
0x9a: {  	s4 =	simm.s32 $_size__tile_overlayer_lowered;
	s5 =	simm.s32 $_tile_overlayer_lowered  }
0x9b: {  	s22 =	simm.s32 $0x1BFF;
	s21 =	sshll.u32 s5, $0x1;
	s2 =	sadd.s32 s19, s18  }
0x9c: {  	s6 =	simm.s32 $0x0;
	s20 =	sshll.u32 s4, $0x1;
	s4 =	sadd.s32 s21, s2  }
0x9d: {  	[timem:s6], [sflag:s22] =	dma.local [hbm:s4], s20  }
0x9e: {  	_ =	swait.ge [sflag:s22], s20  }
0x9f: {  	s3 =	ssub.s32 $0x0, s20;
	[sflag:s22] =	ssyncset.done $0x0  }
0xa0: {  	[sflag:s22] =	ssyncadd.s32 s3;
	_ =	sdelay $0x1  }
0xa1: {  	s23 =	simm.s32 $0x1B8B  }
0xa2: {  	_ =	swait.ge [sflag:s23], $0x1  }
0xa3: {  	[sflag:s23] =	ssyncset.done $0x0  }
0xa4: {  	s25 =	simm.s32 $0x1B8E;
	s24 =	sld [smem:$0x3FFE];
	[sflag:s23] =	ssyncadd.s32 $0xFFFFFFFF  }
0xa5: {  	s26 =	simm.s32 $execute0_lowered;
	[smem:$0x3FD2] =	sst s25  }
0xa6: {  	s4 =	sshll.u32 s26, $0x1;
	_ =	strace $0x80000049;
	[dreg:$0x1] =	wrdreg $0xFFFFFFFF  }
0xa7: {  	s28 =	simm.s32 $_size_execute0_lowered;
	s2 =	sadd.s32 s2, s4;
	[dreg:$0x0] =	wrdreg $0x0  }
0xa8: {  	s4 =	sshll.u32 s28, $0x1;
	[dreg:$0x2] =	wrdreg s2  }
0xa9: {  	[dreg:$0x3] =	wrdreg s4  }
0xaa: {  	[dreg:$0x4] =	wrdreg $0xC0  }
0xab: {  	_ =	task [dreg:s6], $0x5FFFF  }
0xac: {  	[dreg:$0x1] =	wrdreg $0xFFFFFFFF  }
0xad: {  	[dreg:$0x0] =	wrdreg $0x60  }
0xae: {  	[dreg:$0x2] =	wrdreg s24  }
0xaf: {  	[dreg:$0x3] =	wrdreg $0x0  }
0xb0: {  	[dreg:$0x4] =	wrdreg $0x9  }
0xb1: {  	_ =	task.clear_ibuf [dreg:s6], $0x5FFFF;
	_ =	strace $0x90000049  }
0xb2: {  	s29 =	simm.s32 $0x9;
	_ =	strace $0x8000004B  }
0xb3: {  	_ =	swait.ge [sflag:s29], $0x1  }
0xb4: {  	[sflag:s29] =	ssyncadd.s32 $0xFFFFFFFF  }
0xb5: {  	_ =	strace $0x9000004B  }
0xb6: {  	_ =	sfence  }
0xb7: {  	s30 =	sld [smem:$0x0];
	_ =	sdelay $0x2  }
0xb8: {  	s31 =	sshll.u32 s1, $0xD;
	s1 =	sshrl.u32 s1, $0x2  }
0xb9: {  	s3 =	sand.u32 $0x4000, s31;
	s1 =	sadd.s32 s1, s30  }
0xba: {  	s0 =	sor.u32 s3, s0;
	s1 =	sshll.u32 s1, $0x11  }
0xbb: {  	s0 =	sor.u32 s1, s0  }
0xbc: {  	s0 =	sadd.s32 $0x8F2B, s0  }
0xbd: {  	[sflag:s0] =	ssyncadd.remote.s32 $0x1  }
0xbe: {  	_ =	sfence.sel $0xFFFF  }
0xbf: {  	[dreg:$0x0] =	wrdreg $0xFFFFFFFF;
	(pc) =	sbr.abs _section_cstart, $3  }
0xc0: {  	[dreg:$0x1] =	wrdreg $0xFFFFFFFF  }
0xc1: {  	_ =	task.clear_ibuf [dreg:s6], $0x2FFFF;
	_ =	strace $0x9FFFFFFF  }
0xc2: {  	(tm) =	ssettm $0x7FFFFFFF  }
0xc3: {  	_ =	shalt  }
tec
execute0_lowered:
.L_overlay_start_1:
0x0: {  	(tag) =	ssettag $0x1  }
0x1: {  	s0 =	rddreg [dreg:$0x0]  }
0x2: {  	s1 =	rddreg [dreg:$0x1];
	s3 =	simm.s32 $0x0  }
0x3: {  	s13 =	stileid.u32;
	s7 =	srdreg.scid;
	s28 =	simm.s32 $0x50  }
0x4: {  	s29 =	simm.s32 $0x18000;
	s30 =	simm.s32 $0x1;
	[smem:$0x7FF] =	sst s3  }
0x5: {  	s31 =	simm.s32 $0x0;
	s4 =	sadd.s32 $0x167200, s0;
	s5 =	sadd.s32 $0x18F200, s0  }
0x6: {  	s2 =	smul.u32 $0x9C4, s13;
	s6 =	sadd.s32 $0x1B7200, s0;
	s8 =	sand.u32 $0x1, s7  }
0x7: {  	s20 =	smul.u32 $0x2800, s13;
	s9 =	sadd.s32 $0x16E00, s0;
	s11 =	sadd.s32 $0x1DF200, s0  }
0x8: {  	s21 =	sadd.s32 $0x20C00, s0;
	s22 =	smul.u32 $0x50000, s13;
	s12 =	sadd.s32 $0x207200, s0  }
0x9: {  	_ =	strace $0x8000004A;
	s10 =	smul.u32 $0x28000, s8;
	[dreg:$0x4] =	wrdreg s11  }
0xa: {  	[dreg:$0x5] =	wrdreg s12;
	s23 =	ssub.s32 $0x2, s8;
	s19 =	smul.u32 $0x27100, s8  }
0xb: {  	p0 =	sne.s32 s8, $0x0;
	s18 =	sadd.s32 s2, s0;
	[dreg:$0x3] =	wrdreg s20  }
0xc: {  	s24 =	sshrl.u32 s23, $0x1;
	s11 =	sshrl.u32 s22, $0x2;
	s10 =	sadd.s32 s20, s10  }
0xd: {  	s16 =	ssub.s32 s23, s24;
	s20 =	smul.u32 $0x2710, s13;
	s17 =	sadd.s32 $0x3200, s18  }
0xe: {  	s18 =	sadd.s32 $0xD000, s18;
	s23 =	simm.s32 $0x14000;
	s24 =	simm.s32 $0x2  }
0xf: {  	s0 =	sadd.s32 s10, s0;
	s10 =	sadd.s32 s11, s1;
	s25 =	smax.u32 s16, $0x1  }
0x10: {  	s11 =	sadd.s32 $0x4000, s10;
	s12 =	sadd.s32 $0x8000, s10;
	s13 =	sadd.s32 $0xC000, s10  }
0x11: {  	s14 =	sadd.s32 $0x10000, s10;
	s0 =	sadd.s32 $0x22F200, s0;
	[dreg:$0x7] =	wrdreg s25  }
0x12: {  	s26 =	sadd.s32 s20, s19;
	s19 =	sadd.s32 s2, s21;
	s20 =	sadd.s32 s2, s9  }
0x13: {  	s25 =	simm.s32 $0x1A800;
	[dreg:$0x6] =	wrdreg s0;
	s0 =	sshrl.u32 s26, $0x3  }
0x14: {  	v0 =	vimm.f32 $0.0e+00;
	s26 =	simm.s32 $0x1A880;
	s21 =	sadd.s32 s0, s21;
	s22 =	sadd.s32 s0, s9  }
.LBB2_1:
0x15: {  	s0 =	simm.s32 $0x0;
	s8 =	simm.s32 $0x200  }
.LBB2_2:
0x16: {  	p1 =	sne.s32 s8, $0xFE00;
	[tilespmem:s0+$0x14070] =	vst v0  }
0x17: {  	[tilespmem:s0+$0x14000] =	vst v0  }
0x18: {  	[tilespmem:s0+$0x14010] =	vst v0  }
.Ltmp0:
0x19: {  	[tilespmem:s0+$0x14020] =	vst v0;
	(pc) =	sbr.rel @p1 .LBB2_2-.Ltmp0, $4  }
0x1a: {  	[tilespmem:s0+$0x14030] =	vst v0  }
0x1b: {  	[tilespmem:s0+$0x14040] =	vst v0  }
0x1c: {  	[tilespmem:s0+$0x14050] =	vst v0  }
0x1d: {  	[tilespmem:s0+$0x14060] =	vst v0;
	s0 =	sshra.s32 s8, $0x2;
	s8 =	sadd.s32 $0x200, s8  }
0x1e: {  	[tilespmem:s0+$0x14070] =	vst v0  }
0x1f: {  	[tilespmem:s0+$0x14000] =	vst v0  }
0x20: {  	[tilespmem:s0+$0x14010] =	vst v0  }
0x21: {  	[tilespmem:s0+$0x14020] =	vst v0  }
0x22: {  	[tilespmem:s0+$0x14030] =	vst v0  }
0x23: {  	[tilespmem:s0+$0x14040] =	vst v0  }
0x24: {  	[tilespmem:s0+$0x14050] =	vst v0  }
0x25: {  	[tilespmem:s0+$0x14060] =	vst v0  }
0x26: {  	[spmem:s10] =	stream.linear.scatter [tilespmem:s23], [sflag:$0x2], $0x4000, $0x38;
	[tilespmem:$0x1A900] =	vst v63  }
0x27: {  	_ =	swait.ge [sflag:s24], $0x4000  }
0x28: {  	[sflag:s24] =	ssyncset.done $0x0  }
0x29: {  	[sflag:s24] =	ssyncadd.s32 $0xFFFFC000  }
0x2a: {  	[spmem:s11] =	stream.linear.scatter [tilespmem:s23], [sflag:$0x2], $0x4000, $0x38;
	[tilespmem:$0x1A900] =	vst v63  }
0x2b: {  	_ =	swait.ge [sflag:s24], $0x4000  }
0x2c: {  	[sflag:s24] =	ssyncset.done $0x0  }
0x2d: {  	[sflag:s24] =	ssyncadd.s32 $0xFFFFC000  }
0x2e: {  	[spmem:s12] =	stream.linear.scatter [tilespmem:s23], [sflag:$0x2], $0x4000, $0x38;
	[tilespmem:$0x1A900] =	vst v63  }
0x2f: {  	_ =	swait.ge [sflag:s24], $0x4000  }
0x30: {  	[sflag:s24] =	ssyncset.done $0x0  }
0x31: {  	[sflag:s24] =	ssyncadd.s32 $0xFFFFC000  }
0x32: {  	[spmem:s13] =	stream.linear.scatter [tilespmem:s23], [sflag:$0x2], $0x4000, $0x38;
	[tilespmem:$0x1A900] =	vst v63  }
0x33: {  	_ =	swait.ge [sflag:s24], $0x4000  }
0x34: {  	[sflag:s24] =	ssyncset.done $0x0  }
0x35: {  	[sflag:s24] =	ssyncadd.s32 $0xFFFFC000  }
0x36: {  	[spmem:s14] =	stream.linear.scatter [tilespmem:s23], [sflag:$0x2], $0x4000, $0x38;
	[tilespmem:$0x1A900] =	vst v63  }
.Ltmp1:
0x37: {  	_ =	swait.ge [sflag:s24], $0x4000;
	(pc) =	sbr.rel @p0 .LBB2_7-.Ltmp1, $3  }
0x38: {  	[sflag:s24] =	ssyncset.done $0x0  }
0x39: {  	[sflag:s24] =	ssyncadd.s32 $0xFFFFC000  }
0x3a: {  	[bflag:$0x0] =	sbarrier.arrive $0xFFFF;
	_ =	sdelay $0x1  }
0x3b: {  	s0 =	sadd.s32 $0x0, s20  }
0x3c: {  	[tilespmem:s25], [sflag:$0x2] =	stream.linear.gather [hbm4b:s0+s3], $0x50, $0x38;
	[tilespmem:$0x1A900] =	vst v63  }
0x3d: {  	_ =	swait.ge [sflag:s24], $0x50  }
0x3e: {  	[sflag:s24] =	ssyncset.done $0x0  }
0x3f: {  	s16 =	sadd.s32 $0x0, s19;
	[sflag:s24] =	ssyncadd.s32 $0xFFFFFFB0  }
0x40: {  	[tilespmem:s26], [sflag:$0x2] =	stream.linear.gather [hbm4b:s16+s3], $0x50, $0x38;
	[tilespmem:$0x1A900] =	vst v63  }
0x41: {  	_ =	swait.ge [sflag:s24], $0x50  }
0x42: {  	[sflag:s24] =	ssyncset.done $0x0  }
0x43: {  	[sflag:s24] =	ssyncadd.s32 $0xFFFFFFB0  }
0x44: {  	[tilespmem:s29], [sflag:$0x1] =	stream.indirect.gather [hbm4b:s4+s28], $0x80, s25, s28, $0xb8;
	[tilespmem:$0x1A900] =	vst v63  }
0x45: {  	_ =	swait.ge [sflag:s30], $0x2800  }
0x46: {  	[sflag:s30] =	ssyncset.done $0x0  }
0x47: {  	[sflag:s30] =	ssyncadd.s32 $0xFFFFD800  }
0x48: {  	[spmem:s1] =	stream.indirect.scatter.add.f32 [tilespmem:s29], [sflag:$0x2], $0x80, s26, s28, $0xb8;
	[tilespmem:$0x1A900] =	vst v63  }
0x49: {  	_ =	swait.ge [sflag:s24], $0x2800  }
0x4a: {  	s8 =	simm.s32 $0x14;
	s0 =	simm.s32 $0xA;
	[sflag:s24] =	ssyncset.done $0x0  }
.LBB2_5:
0x4b: {  	s2 =	sadd.s32 s0, s20  }
0x4c: {  	[sflag:s24] =	ssyncadd.s32 $0xFFFFD800;
	s9 =	smov.u32 s8;
	s7 =	sadd.s32 $0xA, s8  }
0x4d: {  	[tilespmem:s25], [sflag:$0x2] =	stream.linear.gather [hbm4b:s2+s3], $0x50, $0x38;
	[tilespmem:$0x1A900] =	vst v63  }
0x4e: {  	p1 =	seq.s32 s8, $0x9BA;
	_ =	swait.ge [sflag:s24], $0x50  }
0x4f: {  	[sflag:s24] =	ssyncset.done $0x0  }
0x50: {  	s2 =	sadd.s32 s0, s19;
	s0 =	smov.u32 s9;
	[sflag:s24] =	ssyncadd.s32 $0xFFFFFFB0  }
0x51: {  	[tilespmem:s26], [sflag:$0x2] =	stream.linear.gather [hbm4b:s2+s3], $0x50, $0x38;
	[tilespmem:$0x1A900] =	vst v63  }
0x52: {  	_ =	swait.ge [sflag:s24], $0x50  }
0x53: {  	[sflag:s24] =	ssyncset.done $0x0  }
0x54: {  	[sflag:s24] =	ssyncadd.s32 $0xFFFFFFB0  }
0x55: {  	[tilespmem:s29], [sflag:$0x1] =	stream.indirect.gather [hbm4b:s4+s28], $0x80, s25, s28, $0xb8;
	[tilespmem:$0x1A900] =	vst v63  }
0x56: {  	_ =	swait.ge [sflag:s30], $0x2800  }
.Ltmp2:
0x57: {  	[sflag:s30] =	ssyncset.done $0x0;
	(pc) =	sbr.rel @!p1 .LBB2_5-.Ltmp2, $4  }
0x58: {  	[sflag:s30] =	ssyncadd.s32 $0xFFFFD800  }
0x59: {  	[spmem:s1] =	stream.indirect.scatter.add.f32 [tilespmem:s29], [sflag:$0x2], $0x80, s26, s28, $0xb8;
	[tilespmem:$0x1A900] =	vst v63  }
0x5a: {  	_ =	swait.ge [sflag:s24], $0x2800  }
0x5b: {  	s8 =	smov.u32 s7;
	[sflag:s24] =	ssyncset.done $0x0  }
0x5c: {  	s2 =	sadd.s32 s0, s20;
	[sflag:s24] =	ssyncadd.s32 $0xFFFFD800  }
0x5d: {  	[tilespmem:s25], [sflag:$0x2] =	stream.linear.gather [hbm4b:s2+s3], $0x50, $0x38;
	[tilespmem:$0x1A900] =	vst v63  }
0x5e: {  	_ =	swait.ge [sflag:s24], $0x50  }
0x5f: {  	[sflag:s24] =	ssyncset.done $0x0  }
0x60: {  	s16 =	sadd.s32 s0, s19;
	[sflag:s24] =	ssyncadd.s32 $0xFFFFFFB0  }
0x61: {  	[tilespmem:s26], [sflag:$0x2] =	stream.linear.gather [hbm4b:s16+s3], $0x50, $0x38;
	[tilespmem:$0x1A900] =	vst v63  }
0x62: {  	_ =	swait.ge [sflag:s24], $0x50  }
0x63: {  	[sflag:s24] =	ssyncset.done $0x0  }
0x64: {  	[sflag:s24] =	ssyncadd.s32 $0xFFFFFFB0  }
0x65: {  	[tilespmem:s29], [sflag:$0x1] =	stream.indirect.gather [hbm4b:s4+s28], $0x80, s25, s28, $0xb8;
	[tilespmem:$0x1A900] =	vst v63  }
0x66: {  	_ =	swait.ge [sflag:s30], $0x2800  }
0x67: {  	[sflag:s30] =	ssyncset.done $0x0  }
.Ltmp3:
0x68: {  	[sflag:s30] =	ssyncadd.s32 $0xFFFFD800;
	(pc) =	sbr.rel .LBB2_10-.Ltmp3, $4  }
0x69: {  	[spmem:s1] =	stream.indirect.scatter.add.f32 [tilespmem:s29], [sflag:$0x2], $0x80, s26, s28, $0xb8;
	[tilespmem:$0x1A900] =	vst v63  }
0x6a: {  	_ =	swait.ge [sflag:s24], $0x2800  }
0x6b: {  	[sflag:s24] =	ssyncset.done $0x0  }
0x6c: {  	s0 =	rddreg [dreg:$0x4];
	[sflag:s24] =	ssyncadd.s32 $0xFFFFD800  }
.LBB2_7:
0x6d: {  	s0 =	sadd.s32 $0x0, s18  }
0x6e: {  	[tilespmem:s25], [sflag:$0x2] =	stream.linear.gather [hbm4b:s0+s3], $0x50, $0x38;
	[tilespmem:$0x1A900] =	vst v63  }
0x6f: {  	_ =	swait.ge [sflag:s24], $0x50  }
0x70: {  	[sflag:s24] =	ssyncset.done $0x0  }
0x71: {  	s16 =	sadd.s32 $0x0, s17;
	[sflag:s24] =	ssyncadd.s32 $0xFFFFFFB0  }
0x72: {  	[tilespmem:s26], [sflag:$0x2] =	stream.linear.gather [hbm4b:s16+s3], $0x50, $0x38;
	[tilespmem:$0x1A900] =	vst v63  }
0x73: {  	_ =	swait.ge [sflag:s24], $0x50  }
0x74: {  	[sflag:s24] =	ssyncset.done $0x0  }
0x75: {  	[sflag:s24] =	ssyncadd.s32 $0xFFFFFFB0  }
0x76: {  	[tilespmem:s29], [sflag:$0x1] =	stream.indirect.gather [hbm4b:s5+s28], $0x80, s25, s28, $0xb8;
	[tilespmem:$0x1A900] =	vst v63  }
0x77: {  	_ =	swait.ge [sflag:s30], $0x2800  }
0x78: {  	[sflag:s30] =	ssyncset.done $0x0  }
0x79: {  	[sflag:s30] =	ssyncadd.s32 $0xFFFFD800  }
0x7a: {  	[spmem:s1] =	stream.indirect.scatter.add.f32 [tilespmem:s29], [sflag:$0x2], $0x80, s26, s28, $0xb8;
	[tilespmem:$0x1A900] =	vst v63  }
0x7b: {  	_ =	swait.ge [sflag:s24], $0x2800  }
0x7c: {  	s8 =	simm.s32 $0x14;
	s0 =	simm.s32 $0xA;
	[sflag:s24] =	ssyncset.done $0x0  }
.LBB2_8:
0x7d: {  	s2 =	sadd.s32 s0, s18  }
0x7e: {  	[sflag:s24] =	ssyncadd.s32 $0xFFFFD800;
	s7 =	smov.u32 s8;
	s9 =	sadd.s32 $0xA, s8  }
0x7f: {  	[tilespmem:s25], [sflag:$0x2] =	stream.linear.gather [hbm4b:s2+s3], $0x50, $0x38;
	[tilespmem:$0x1A900] =	vst v63  }
0x80: {  	p1 =	sne.s32 s8, $0x9BA;
	_ =	swait.ge [sflag:s24], $0x50  }
0x81: {  	[sflag:s24] =	ssyncset.done $0x0  }
0x82: {  	s2 =	sadd.s32 s0, s17;
	s0 =	smov.u32 s7;
	[sflag:s24] =	ssyncadd.s32 $0xFFFFFFB0  }
0x83: {  	[tilespmem:s26], [sflag:$0x2] =	stream.linear.gather [hbm4b:s2+s3], $0x50, $0x38;
	[tilespmem:$0x1A900] =	vst v63  }
0x84: {  	_ =	swait.ge [sflag:s24], $0x50  }
0x85: {  	[sflag:s24] =	ssyncset.done $0x0  }
0x86: {  	[sflag:s24] =	ssyncadd.s32 $0xFFFFFFB0  }
0x87: {  	[tilespmem:s29], [sflag:$0x1] =	stream.indirect.gather [hbm4b:s5+s28], $0x80, s25, s28, $0xb8;
	[tilespmem:$0x1A900] =	vst v63  }
0x88: {  	_ =	swait.ge [sflag:s30], $0x2800  }
.Ltmp4:
0x89: {  	[sflag:s30] =	ssyncset.done $0x0;
	(pc) =	sbr.rel @p1 .LBB2_8-.Ltmp4, $4  }
0x8a: {  	[sflag:s30] =	ssyncadd.s32 $0xFFFFD800  }
0x8b: {  	[spmem:s1] =	stream.indirect.scatter.add.f32 [tilespmem:s29], [sflag:$0x2], $0x80, s26, s28, $0xb8;
	[tilespmem:$0x1A900] =	vst v63  }
0x8c: {  	_ =	swait.ge [sflag:s24], $0x2800  }
0x8d: {  	s8 =	smov.u32 s9;
	[sflag:s24] =	ssyncset.done $0x0  }
0x8e: {  	s2 =	sadd.s32 s0, s18;
	[sflag:s24] =	ssyncadd.s32 $0xFFFFD800  }
0x8f: {  	[tilespmem:s25], [sflag:$0x2] =	stream.linear.gather [hbm4b:s2+s3], $0x50, $0x38;
	[tilespmem:$0x1A900] =	vst v63  }
0x90: {  	_ =	swait.ge [sflag:s24], $0x50  }
0x91: {  	[sflag:s24] =	ssyncset.done $0x0  }
0x92: {  	s16 =	sadd.s32 s0, s17;
	[sflag:s24] =	ssyncadd.s32 $0xFFFFFFB0  }
0x93: {  	[tilespmem:s26], [sflag:$0x2] =	stream.linear.gather [hbm4b:s16+s3], $0x50, $0x38;
	[tilespmem:$0x1A900] =	vst v63  }
0x94: {  	_ =	swait.ge [sflag:s24], $0x50  }
0x95: {  	[sflag:s24] =	ssyncset.done $0x0  }
0x96: {  	[sflag:s24] =	ssyncadd.s32 $0xFFFFFFB0  }
0x97: {  	[tilespmem:s29], [sflag:$0x1] =	stream.indirect.gather [hbm4b:s5+s28], $0x80, s25, s28, $0xb8;
	[tilespmem:$0x1A900] =	vst v63  }
0x98: {  	_ =	swait.ge [sflag:s30], $0x2800  }
0x99: {  	[sflag:s30] =	ssyncset.done $0x0  }
0x9a: {  	[sflag:s30] =	ssyncadd.s32 $0xFFFFD800  }
0x9b: {  	[spmem:s1] =	stream.indirect.scatter.add.f32 [tilespmem:s29], [sflag:$0x2], $0x80, s26, s28, $0xb8;
	[tilespmem:$0x1A900] =	vst v63  }
0x9c: {  	_ =	swait.ge [sflag:s24], $0x2800  }
0x9d: {  	[sflag:s24] =	ssyncset.done $0x0  }
0x9e: {  	s0 =	rddreg [dreg:$0x5];
	[sflag:s24] =	ssyncadd.s32 $0xFFFFD800  }
.LBB2_10:
0x9f: {  	s2 =	rddreg [dreg:$0x3];
	s9 =	stileid.u32  }
0xa0: {  	s2 =	sadd.s32 s0, s2;
	s0 =	sshll.u32 s9, $0x6  }
0xa1: {  	[bflag:$0x0] =	sbarrier.arrive $0xFFFF;
	s8 =	sshrl.u32 s10, $0x3;
	s0 =	sor.u32 $0x1C02, s0  }
0xa2: {  	[hbm:s2], [sflag:s0] =	dma.local [spmem:s8], $0x2800  }
0xa3: {  	_ =	swait.ge [sflag:s24], $0x2800  }
0xa4: {  	[sflag:s24] =	ssyncset.done $0x0  }
0xa5: {  	[sflag:s24] =	ssyncadd.s32 $0xFFFFD800  }
0xa6: {  	[bflag:$0x0] =	sbarrier.arrive $0xFFFF  }
0xa7: {  	[spmem:s10] =	stream.linear.scatter [tilespmem:s23], [sflag:$0x2], $0x4000, $0x38;
	[tilespmem:$0x1A900] =	vst v63  }
0xa8: {  	_ =	swait.ge [sflag:s24], $0x4000  }
0xa9: {  	[sflag:s24] =	ssyncset.done $0x0  }
0xaa: {  	[sflag:s24] =	ssyncadd.s32 $0xFFFFC000  }
0xab: {  	[spmem:s11] =	stream.linear.scatter [tilespmem:s23], [sflag:$0x2], $0x4000, $0x38;
	[tilespmem:$0x1A900] =	vst v63  }
0xac: {  	_ =	swait.ge [sflag:s24], $0x4000  }
0xad: {  	[sflag:s24] =	ssyncset.done $0x0  }
0xae: {  	[sflag:s24] =	ssyncadd.s32 $0xFFFFC000  }
0xaf: {  	[spmem:s12] =	stream.linear.scatter [tilespmem:s23], [sflag:$0x2], $0x4000, $0x38;
	[tilespmem:$0x1A900] =	vst v63  }
0xb0: {  	_ =	swait.ge [sflag:s24], $0x4000  }
0xb1: {  	[sflag:s24] =	ssyncset.done $0x0  }
0xb2: {  	[sflag:s24] =	ssyncadd.s32 $0xFFFFC000  }
0xb3: {  	[spmem:s13] =	stream.linear.scatter [tilespmem:s23], [sflag:$0x2], $0x4000, $0x38;
	[tilespmem:$0x1A900] =	vst v63  }
0xb4: {  	_ =	swait.ge [sflag:s24], $0x4000  }
0xb5: {  	[sflag:s24] =	ssyncset.done $0x0  }
0xb6: {  	[sflag:s24] =	ssyncadd.s32 $0xFFFFC000  }
0xb7: {  	[spmem:s14] =	stream.linear.scatter [tilespmem:s23], [sflag:$0x2], $0x4000, $0x38;
	[tilespmem:$0x1A900] =	vst v63  }
0xb8: {  	_ =	swait.ge [sflag:s24], $0x4000  }
0xb9: {  	[sflag:s24] =	ssyncset.done $0x0  }
0xba: {  	[sflag:s24] =	ssyncadd.s32 $0xFFFFC000  }
0xbb: {  	s15 =	sadd.s32 $0x0, s22;
	[bflag:$0x0] =	sbarrier.arrive $0xFFFF  }
0xbc: {  	[tilespmem:s25], [sflag:$0x2] =	stream.linear.gather [hbm4b:s15+s3], $0x50, $0x38;
	[tilespmem:$0x1A900] =	vst v63  }
0xbd: {  	_ =	swait.ge [sflag:s24], $0x50  }
0xbe: {  	[sflag:s24] =	ssyncset.done $0x0  }
0xbf: {  	s16 =	sadd.s32 $0x0, s21;
	[sflag:s24] =	ssyncadd.s32 $0xFFFFFFB0  }
0xc0: {  	[tilespmem:s26], [sflag:$0x2] =	stream.linear.gather [hbm4b:s16+s3], $0x50, $0x38;
	[tilespmem:$0x1A900] =	vst v63  }
0xc1: {  	_ =	swait.ge [sflag:s24], $0x50  }
0xc2: {  	[sflag:s24] =	ssyncset.done $0x0  }
0xc3: {  	[sflag:s24] =	ssyncadd.s32 $0xFFFFFFB0  }
0xc4: {  	[tilespmem:s29], [sflag:$0x1] =	stream.indirect.gather [hbm4b:s6+s28], $0x80, s25, s28, $0xb8;
	[tilespmem:$0x1A900] =	vst v63  }
0xc5: {  	_ =	swait.ge [sflag:s30], $0x2800  }
0xc6: {  	[sflag:s30] =	ssyncset.done $0x0  }
0xc7: {  	[sflag:s30] =	ssyncadd.s32 $0xFFFFD800  }
0xc8: {  	[spmem:s1] =	stream.indirect.scatter.add.f32 [tilespmem:s29], [sflag:$0x2], $0x80, s26, s28, $0xb8;
	[tilespmem:$0x1A900] =	vst v63  }
0xc9: {  	_ =	swait.ge [sflag:s24], $0x2800  }
0xca: {  	s9 =	simm.s32 $0xA;
	s2 =	simm.s32 $0x14;
	[sflag:s24] =	ssyncset.done $0x0  }
.LBB2_11:
0xcb: {  	s7 =	sadd.s32 s9, s22  }
0xcc: {  	[sflag:s24] =	ssyncadd.s32 $0xFFFFD800;
	s15 =	smov.u32 s2;
	s16 =	sadd.s32 $0xA, s2  }
0xcd: {  	[tilespmem:s25], [sflag:$0x2] =	stream.linear.gather [hbm4b:s7+s3], $0x50, $0x38;
	[tilespmem:$0x1A900] =	vst v63  }
0xce: {  	p1 =	sne.s32 s2, $0x4D8;
	_ =	swait.ge [sflag:s24], $0x50  }
0xcf: {  	[sflag:s24] =	ssyncset.done $0x0  }
0xd0: {  	s2 =	sadd.s32 s9, s21;
	s9 =	smov.u32 s15;
	[sflag:s24] =	ssyncadd.s32 $0xFFFFFFB0  }
0xd1: {  	[tilespmem:s26], [sflag:$0x2] =	stream.linear.gather [hbm4b:s2+s3], $0x50, $0x38;
	[tilespmem:$0x1A900] =	vst v63  }
0xd2: {  	_ =	swait.ge [sflag:s24], $0x50  }
0xd3: {  	[sflag:s24] =	ssyncset.done $0x0  }
0xd4: {  	[sflag:s24] =	ssyncadd.s32 $0xFFFFFFB0  }
0xd5: {  	[tilespmem:s29], [sflag:$0x1] =	stream.indirect.gather [hbm4b:s6+s28], $0x80, s25, s28, $0xb8;
	[tilespmem:$0x1A900] =	vst v63  }
0xd6: {  	_ =	swait.ge [sflag:s30], $0x2800  }
.Ltmp5:
0xd7: {  	[sflag:s30] =	ssyncset.done $0x0;
	(pc) =	sbr.rel @p1 .LBB2_11-.Ltmp5, $4  }
0xd8: {  	[sflag:s30] =	ssyncadd.s32 $0xFFFFD800  }
0xd9: {  	[spmem:s1] =	stream.indirect.scatter.add.f32 [tilespmem:s29], [sflag:$0x2], $0x80, s26, s28, $0xb8;
	[tilespmem:$0x1A900] =	vst v63  }
0xda: {  	_ =	swait.ge [sflag:s24], $0x2800  }
0xdb: {  	s2 =	smov.u32 s16;
	[sflag:s24] =	ssyncset.done $0x0  }
0xdc: {  	s2 =	sadd.s32 s9, s22;
	[sflag:s24] =	ssyncadd.s32 $0xFFFFD800  }
0xdd: {  	[tilespmem:s25], [sflag:$0x2] =	stream.linear.gather [hbm4b:s2+s3], $0x50, $0x38;
	[tilespmem:$0x1A900] =	vst v63  }
0xde: {  	_ =	swait.ge [sflag:s24], $0x50  }
0xdf: {  	[sflag:s24] =	ssyncset.done $0x0  }
0xe0: {  	s9 =	sadd.s32 s9, s21;
	[sflag:s24] =	ssyncadd.s32 $0xFFFFFFB0  }
0xe1: {  	[tilespmem:s26], [sflag:$0x2] =	stream.linear.gather [hbm4b:s9+s3], $0x50, $0x38;
	[tilespmem:$0x1A900] =	vst v63  }
0xe2: {  	_ =	swait.ge [sflag:s24], $0x50  }
0xe3: {  	[sflag:s24] =	ssyncset.done $0x0  }
0xe4: {  	[sflag:s24] =	ssyncadd.s32 $0xFFFFFFB0  }
0xe5: {  	[tilespmem:s29], [sflag:$0x1] =	stream.indirect.gather [hbm4b:s6+s28], $0x80, s25, s28, $0xb8;
	[tilespmem:$0x1A900] =	vst v63  }
0xe6: {  	_ =	swait.ge [sflag:s30], $0x2800  }
0xe7: {  	[sflag:s30] =	ssyncset.done $0x0  }
0xe8: {  	[sflag:s30] =	ssyncadd.s32 $0xFFFFD800  }
0xe9: {  	[spmem:s1] =	stream.indirect.scatter.add.f32 [tilespmem:s29], [sflag:$0x2], $0x80, s26, s28, $0xb8;
	[tilespmem:$0x1A900] =	vst v63  }
0xea: {  	_ =	swait.ge [sflag:s24], $0x2800  }
0xeb: {  	[sflag:s24] =	ssyncset.done $0x0  }
0xec: {  	[sflag:s24] =	ssyncadd.s32 $0xFFFFD800  }
0xed: {  	[bflag:$0x0] =	sbarrier.arrive $0xFFFF  }
0xee: {  	s15 =	rddreg [dreg:$0x6]  }
0xef: {  	[hbm:s15], [sflag:s0] =	dma.local [spmem:s8], $0x2800  }
0xf0: {  	_ =	swait.ge [sflag:s24], $0x2800  }
0xf1: {  	s31 =	sadd.s32 $0x1, s31;
	s16 =	rddreg [dreg:$0x7]  }
0xf2: {  	p1 =	sne.s32 s31, s16  }
.Ltmp6:
0xf3: {  	_ = 	snop;
	(pc) =	sbr.rel @p1 .LBB2_1-.Ltmp6, $3  }
0xf4: {  	_ =	sdelay $0x1  }
0xf5: {  	[sflag:s24] =	ssyncset.done $0x0  }
0xf6: {  	[sflag:s24] =	ssyncadd.s32 $0xFFFFD800  }
0xf7: {  	_ =	sfence.sel $0x180000  }
0xf8: {  	[bflag:$0x0] =	sbarrier.arrive $0xFFFF  }
0xf9: {  	_ =	strace $0x9000004A  }
0xfa: {  	s0 =	stileid.u32;
	[bflag:$0x2] =	sbarrier.arrive $0xFFFF  }
0xfb: {  	p0 =	sne.s32 s0, $0x0;
	s0 =	rddreg [dreg:$0x2]  }
0xfc: {  	s0 =	sadd.s32 @!p0 $0x100000, s0  }
0xfd: {  	[sflag:s0] =	ssyncadd.tile.s32 @!p0 $0x1;
	_ =	shalt  }
.Lfunc_end2:
_tile_overlayer_lowered:
.L_overlay_start_2:
0xfe: {  	(tag) =	ssettag $0x2  }
0xff: {  	s0 =	rddreg [dreg:$0x0];
	s2 =	stileid.u32  }
0x100: {  	s1 =	rddreg [dreg:$0x1];
	p0 =	sne.s32 s2, $0x0  }
0x101: {  	s3 =	rddreg [dreg:$0x2];
	[bflag:$0x3] =	sbarrier.arrive $0xFFFF;
	s2 =	simm.s32 @!p0 $0x1C02  }
0x102: {  	[timem:s3], [sflag:s2] =	dma.local @!p0 [hbm:s0], s1  }
0x103: {  	s0 =	simm.s32 @!p0 $0x2  }
0x104: {  	_ =	swait.ge @!p0 [sflag:s0], s1  }
0x105: {  	s1 =	ssub.s32 @!p0 $0x0, s1;
	[sflag:s0] =	ssyncset.done @!p0 $0x0  }
0x106: {  	[sflag:s0] =	ssyncadd.s32 @!p0 s1  }
0x107: {  	[bflag:$0x3] =	sbarrier.arrive $0xFFFF  }
0x108: {  	_ =	shalt  }

</sc_bundles>
